<compile_context>
chip_gen: v7x
topology: tpu7x:2x2x1
jax: 0.10.2.dev20260603
libtpu: 0.0.44.dev20260713+nightly
codegen_flags: <defaults>
</compile_context>

<pallas_src>
import functools

import jax
import jax.numpy as jnp
from jax import lax
from jax.experimental import pallas as pl
from jax.experimental.pallas import tpu as pltpu
from jax.experimental.pallas import tpu_sc as plsc

N = 10000
E = 320000
D = 128
C = 16

NC = 2
NS = 16
NW = NC * NS
K = 80
STEPS = 125
EP = NW * STEPS * K
NP_ = 10240
ROWS_PER_TILE = NP_ // NS


def _onehot_body(logits_ref, p_ref, zc_ref, zd_ref):
    lg = logits_ref[...]
    m = jnp.max(lg, axis=1, keepdims=True)
    col = lax.broadcasted_iota(jnp.int32, lg.shape, 1)
    idx = jnp.min(jnp.where(lg == m, col, C), axis=1, keepdims=True)
    p_ref[...] = (col == idx).astype(jnp.float32)
    zc_ref[...] = jnp.zeros((NP_, C), jnp.float32)
    zd_ref[...] = jnp.zeros((NP_, D), jnp.float32)


def _onehot_pred(logits):
    return pl.pallas_call(
        _onehot_body,
        out_shape=(
            jax.ShapeDtypeStruct((N, C), jnp.float32),
            jax.ShapeDtypeStruct((NP_, C), jnp.float32),
            jax.ShapeDtypeStruct((NP_, D), jnp.float32),
        ),
    )(logits)


def _sc_body(src_hbm, dst_hbm, p_hbm, h_hbm, zc_hbm, zd_hbm,
             cnts_out, agg_out,
             srcb, dst_v, oh_v, row_v, cnts_sh, agg_sh,
             idx_sem, goh_sem, grow_sem, soh_sem, srow_sem):
    c = lax.axis_index("c")
    s = lax.axis_index("s")
    wid = s * NC + c

    r0 = s * ROWS_PER_TILE
    pltpu.sync_copy(zc_hbm.at[pl.ds(r0, ROWS_PER_TILE)],
                    cnts_sh.at[pl.ds(r0, ROWS_PER_TILE)])
    pltpu.sync_copy(zd_hbm.at[pl.ds(r0, ROWS_PER_TILE)],
                    agg_sh.at[pl.ds(r0, ROWS_PER_TILE)])
    plsc.subcore_barrier()

    pltpu.sync_copy(dst_hbm.at[wid], dst_v)

    def issue_srcidx(i, b):
        pltpu.async_copy(src_hbm.at[wid, lax.rem(i, STEPS)], srcb.at[b],
                         idx_sem)

    def wait_srcidx(b):
        pltpu.make_async_copy(src_hbm.at[wid, 0], srcb.at[b],
                              idx_sem).wait()

    def issue_gathers(b):
        pltpu.async_copy(p_hbm.at[srcb.at[b]], oh_v.at[b], goh_sem)
        pltpu.async_copy(h_hbm.at[srcb.at[b]], row_v.at[b], grow_sem)

    def wait_gathers(b):
        pltpu.make_async_copy(p_hbm.at[srcb.at[b]], oh_v.at[b],
                              goh_sem).wait()
        pltpu.make_async_copy(h_hbm.at[srcb.at[b]], row_v.at[b],
                              grow_sem).wait()

    def issue_scatters(i, b):
        pltpu.async_copy(oh_v.at[b], cnts_sh.at[dst_v.at[i]], soh_sem,
                         add=True)
        pltpu.async_copy(row_v.at[b], agg_sh.at[dst_v.at[i]], srow_sem,
                         add=True)

    def wait_scatters(b):
        pltpu.make_async_copy(oh_v.at[b], cnts_sh.at[pl.ds(0, K)],
                              soh_sem).wait()
        pltpu.make_async_copy(row_v.at[b], agg_sh.at[pl.ds(0, K)],
                              srow_sem).wait()

    issue_srcidx(0, 0)
    wait_srcidx(0)
    issue_gathers(0)
    issue_srcidx(1, 1)

    def step(g, carry):
        i0 = 2 * g
        i1 = i0 + 1
        wait_srcidx(1)
        issue_gathers(1)
        wait_gathers(0)
        issue_scatters(i0, 0)
        issue_srcidx(i0 + 2, 0)
        wait_gathers(1)
        issue_scatters(i1, 1)
        issue_srcidx(i1 + 2, 1)
        wait_scatters(0)
        wait_srcidx(0)
        issue_gathers(0)
        wait_scatters(1)
        return carry

    lax.fori_loop(0, (STEPS - 1) // 2, step, 0)
    wait_gathers(0)
    issue_scatters(STEPS - 1, 0)
    wait_scatters(0)
    wait_srcidx(1)
    plsc.subcore_barrier()

    pltpu.sync_copy(cnts_sh.at[pl.ds(r0, ROWS_PER_TILE)],
                    cnts_out.at[c, pl.ds(r0, ROWS_PER_TILE)])
    pltpu.sync_copy(agg_sh.at[pl.ds(r0, ROWS_PER_TILE)],
                    agg_out.at[c, pl.ds(r0, ROWS_PER_TILE)])


def _sc_aggregate(src, dst, p, h, zc, zd):
    mesh = plsc.VectorSubcoreMesh(core_axis_name="c", subcore_axis_name="s")
    f = pl.kernel(
        _sc_body,
        out_type=(
            jax.ShapeDtypeStruct((NC, NP_, C), jnp.float32),
            jax.ShapeDtypeStruct((NC, NP_, D), jnp.float32),
        ),
        mesh=mesh,
        scratch_types=[
            pltpu.VMEM((2, K), jnp.int32),
            pltpu.VMEM((STEPS, K), jnp.int32),
            pltpu.VMEM((2, K, C), jnp.float32),
            pltpu.VMEM((2, K, D), jnp.float32),
            pltpu.VMEM_SHARED((NP_, C), jnp.float32),
            pltpu.VMEM_SHARED((NP_, D), jnp.float32),
            pltpu.SemaphoreType.DMA,
            pltpu.SemaphoreType.DMA,
            pltpu.SemaphoreType.DMA,
            pltpu.SemaphoreType.DMA,
            pltpu.SemaphoreType.DMA,
        ],
        compiler_params=pltpu.CompilerParams(use_tc_tiling_on_sc=False),
    )
    return f(src.reshape(NW, STEPS, K), dst.reshape(NW, STEPS, K),
             p, h, zc, zd)


def _gate_body(cnts2_ref, p_ref, oldz_ref, t1_ref, t2_ref, z_ref, gate_ref):
    cnts = cnts2_ref[0, :N, :] + cnts2_ref[1, :N, :]
    p = p_ref[...]
    f1 = jnp.sum(cnts * p, axis=1, keepdims=True)
    cc = jnp.maximum(cnts, 1e-5)
    f2 = -jnp.sum(cc * jnp.log(cc), axis=1, keepdims=True)

    def _ln(x):
        mu = jnp.mean(x)
        var = jnp.mean((x - mu) ** 2)
        return (x - mu) / jnp.sqrt(var + 1e-5)

    nf1 = _ln(f1)
    nf2 = _ln(f2)
    t1 = t1_ref[0, 0]
    t2 = t2_ref[0, 0]
    z = jax.nn.sigmoid(t1 - nf1) * jax.nn.sigmoid(t2 - nf2)
    z_ref[...] = z
    gate_ref[...] = jnp.minimum(oldz_ref[...], z)


def _gates(cnts2, p, old_z, tau_1, tau_2):
    return pl.pallas_call(
        _gate_body,
        out_shape=(
            jax.ShapeDtypeStruct((N, 1), jnp.float32),
            jax.ShapeDtypeStruct((N, 1), jnp.float32),
        ),
    )(cnts2, p, old_z, tau_1, tau_2)


BLK = 1000


def _update_body(h_ref, a0_ref, a1_ref, gate_ref, out_ref):
    agg = jax.nn.relu(a0_ref[0] + a1_ref[0])
    out_ref[...] = h_ref[...] + gate_ref[...] * agg


def _update(h, agg2, gate):
    grid = (N // BLK,)
    spec = pl.BlockSpec((BLK, D), lambda i: (i, 0))
    a0spec = pl.BlockSpec((1, BLK, D), lambda i: (0, i, 0))
    a1spec = pl.BlockSpec((1, BLK, D), lambda i: (1, i, 0))
    gspec = pl.BlockSpec((BLK, 1), lambda i: (i, 0))
    return pl.pallas_call(
        _update_body,
        grid=grid,
        in_specs=[spec, a0spec, a1spec, gspec],
        out_specs=spec,
        out_shape=jax.ShapeDtypeStruct((N, D), jnp.float32),
    )(h, agg2, agg2, gate)


def kernel(h, logits, old_z, edge_index, tau_1, tau_2):
    src = edge_index[0].astype(jnp.int32)
    dst = edge_index[1].astype(jnp.int32)

    p, zc, zd = _onehot_pred(logits)
    cnts2, agg2 = _sc_aggregate(src, dst, p, h, zc, zd)

    z, gate = _gates(cnts2, p, old_z.reshape(N, 1),
                     tau_1.reshape(1, 1), tau_2.reshape(1, 1))
    new_h = _update(h, agg2, gate)
    return (new_h, z.reshape(N))

# --- scband reference (transcript-rebuilt; emitter-appended) ---
"""Pipeline reference for scband-gated-layer-33552284516386 (READ-ONLY COPY).

The authoritative reference and input builder live on the scoring server;
editing this copy changes nothing except your own understanding.
"""

import jax, jax.numpy as jnp
import numpy as np


def _ln(x):
    # torch.nn.LayerNorm(num_nodes, elementwise_affine=False) applied to a [N] vector
    mu = jnp.mean(x)
    var = jnp.var(x)
    return (x - mu) / jnp.sqrt(var + 1e-5)


def setup_inputs(seed: int = 0) -> dict:
    key = jax.random.key(seed)
    k1, k2, k3, k4, k5, k6 = jax.random.split(key, 6)
    N, E, D, C = 10000, 320000, 128, 16
    h = jax.random.normal(k1, (N, D), dtype=jnp.float32)
    logits = jax.random.normal(k2, (N, C), dtype=jnp.float32)
    old_z = jax.random.uniform(k3, (N,), dtype=jnp.float32)
    edge_index = jax.random.randint(k4, (2, E), 0, N)
    tau_1 = jax.random.uniform(k5, (1,), dtype=jnp.float32)
    tau_2 = jax.random.uniform(k6, (1,), dtype=jnp.float32)
    return {"h": h, "logits": logits, "old_z": old_z, "edge_index": edge_index, "tau_1": tau_1, "tau_2": tau_2}


def reference(h, logits, old_z, edge_index, tau_1, tau_2):
    N, C = logits.shape
    src = edge_index[0]
    dst = edge_index[1]
    # adaptive_reduce_func: per-dst-node stats over incoming neighbor predictions
    pred = jnp.argmax(logits, axis=1)            # center_pred per node
    pred_src = pred[src]                          # neighbor predictions per edge (copy_u)
    # f1: count of neighbors agreeing with center prediction (n_degree = 1 in original)
    f1 = jax.ops.segment_sum((pred_src == pred[dst]).astype(jnp.float32), dst, num_segments=N)
    # f2: entropy of neighbor prediction class-count distribution
    onehot = jax.nn.one_hot(pred_src, C, dtype=jnp.float32)
    cnts = jax.ops.segment_sum(onehot, dst, num_segments=N)
    cnts = jnp.clip(cnts, 1e-5)
    f2 = -jnp.sum(cnts * jnp.log(cnts), axis=1)
    f1 = jax.lax.stop_gradient(f1)
    f2 = jax.lax.stop_gradient(f2)
    norm_f1 = _ln(f1)
    norm_f2 = _ln(f2)
    # shared_tau=True path: tau_1 / tau_2 passed in
    z = jax.nn.sigmoid(-1.0 * (norm_f1 - tau_1)) * jax.nn.sigmoid(-1.0 * (norm_f2 - tau_2))
    gate = jnp.minimum(old_z, z)
    # second update_all: copy_u('h') + sum reduce
    agg = jax.ops.segment_sum(h[src], dst, num_segments=N)
    normagg = jax.nn.relu(agg)  # activation
    new_h = h + gate[:, None] * normagg
    return (new_h, z)

if __name__ == "__main__":
    import jax
    _d = setup_inputs()
    print(jax.jit(kernel)(*tuple(_d.values())))

</pallas_src>

<mosaic_0001>
#map = affine_map<(d0, d1) -> (0, 0, 0)>
#map1 = affine_map<(d0, d1) -> (0, 0)>
module attributes {stable_mosaic.version = 14 : i64} {
  func.func @_sc_body(%arg0: i32, %arg1: i32, %arg2: memref<32x125x80xi32, #tpu.memory_space<hbm>>, %arg3: memref<32x125x80xi32, #tpu.memory_space<hbm>>, %arg4: memref<10000x16xf32, #tpu.memory_space<hbm>>, %arg5: memref<10000x128xf32, #tpu.memory_space<hbm>>, %arg6: memref<10240x16xf32, #tpu.memory_space<hbm>>, %arg7: memref<10240x128xf32, #tpu.memory_space<hbm>>, %arg8: memref<2x10240x16xf32, #tpu.memory_space<hbm>>, %arg9: memref<2x10240x128xf32, #tpu.memory_space<hbm>>, %arg10: memref<2x80xi32, #tpu.memory_space<vmem>>, %arg11: memref<125x80xi32, #tpu.memory_space<vmem>>, %arg12: memref<2x80x16xf32, #tpu.memory_space<vmem>>, %arg13: memref<2x80x128xf32, #tpu.memory_space<vmem>>, %arg14: memref<10240x16xf32, #tpu.memory_space<vmem_shared>>, %arg15: memref<10240x128xf32, #tpu.memory_space<vmem_shared>>, %arg16: memref<!tpu.dma_semaphore, #tpu.memory_space<semaphore_mem>>, %arg17: memref<!tpu.dma_semaphore, #tpu.memory_space<semaphore_mem>>, %arg18: memref<!tpu.dma_semaphore, #tpu.memory_space<semaphore_mem>>, %arg19: memref<!tpu.dma_semaphore, #tpu.memory_space<semaphore_mem>>, %arg20: memref<!tpu.dma_semaphore, #tpu.memory_space<semaphore_mem>>) attributes {dimension_semantics = [#tpu.dimension_semantics<core_parallel>, #tpu.dimension_semantics<subcore_parallel>], iteration_bounds = array<i64: 2, 16>, scalar_prefetch = 0 : i64, scratch_operands = 11 : i64, tpu.core_type = #tpu.core_type<sc_vector_subcore>, window_params = [{transform_indices = #map}, {transform_indices = #map}, {transform_indices = #map1}, {transform_indices = #map1}, {transform_indices = #map1}, {transform_indices = #map1}, {transform_indices = #map}, {transform_indices = #map}]} {
    %mul3A = arith.constant 2 : i32
    %mul3A_0 = arith.muli %arg1, %mul3A : i32
    %add3A = arith.addi %mul3A_0, %arg0 : i32
    %mul3A_1 = arith.constant 640 : i32
    %mul3A_2 = arith.muli %arg1, %mul3A_1 : i32
    "tpu.region"() ({
      %run_scoped3A = tpu.sem_alloc : memref<!tpu.dma_semaphore, #tpu.memory_space<semaphore_mem>>
      %dma_start3A_168 = arith.constant 0 : i32
      %dma_start3A_169 = tpu.memref_slice %arg14[%mul3A_2, %dma_start3A_168] : memref<10240x16xf32, #tpu.memory_space<vmem_shared>> -> memref<640x16xf32, #tpu.memory_space<vmem_shared>>
      %dma_start3A_170 = arith.constant 0 : i32
      %dma_start3A_171 = tpu.memref_slice %arg6[%mul3A_2, %dma_start3A_170] : memref<10240x16xf32, #tpu.memory_space<hbm>> -> memref<640x16xf32, #tpu.memory_space<hbm>>
      tpu.enqueue_dma source(%dma_start3A_171 : memref<640x16xf32, #tpu.memory_space<hbm>>) target(%dma_start3A_169 : memref<640x16xf32, #tpu.memory_space<vmem_shared>>) target_semaphore(%run_scoped3A : memref<!tpu.dma_semaphore, #tpu.memory_space<semaphore_mem>>)
      %dma_wait3A_172 = arith.constant 0 : i32
      %dma_wait3A_173 = tpu.memref_slice %arg14[%mul3A_2, %dma_wait3A_172] : memref<10240x16xf32, #tpu.memory_space<vmem_shared>> -> memref<640x16xf32, #tpu.memory_space<vmem_shared>>
      %dma_wait3A_174 = arith.constant 0 : i32
      %dma_wait3A_175 = tpu.memref_slice %arg6[%mul3A_2, %dma_wait3A_174] : memref<10240x16xf32, #tpu.memory_space<hbm>> -> memref<640x16xf32, #tpu.memory_space<hbm>>
      tpu.wait_dma2 semaphore(%run_scoped3A : memref<!tpu.dma_semaphore, #tpu.memory_space<semaphore_mem>>) src(%dma_wait3A_175 : memref<640x16xf32, #tpu.memory_space<hbm>>) dst(%dma_wait3A_173 : memref<640x16xf32, #tpu.memory_space<vmem_shared>>)
      tpu.yield
    }) : () -> ()
    "tpu.region"() ({
      %run_scoped3A = tpu.sem_alloc : memref<!tpu.dma_semaphore, #tpu.memory_space<semaphore_mem>>
      %dma_start3A_168 = arith.constant 0 : i32
      %dma_start3A_169 = tpu.memref_slice %arg15[%mul3A_2, %dma_start3A_168] : memref<10240x128xf32, #tpu.memory_space<vmem_shared>> -> memref<640x128xf32, #tpu.memory_space<vmem_shared>>
      %dma_start3A_170 = arith.constant 0 : i32
      %dma_start3A_171 = tpu.memref_slice %arg7[%mul3A_2, %dma_start3A_170] : memref<10240x128xf32, #tpu.memory_space<hbm>> -> memref<640x128xf32, #tpu.memory_space<hbm>>
      tpu.enqueue_dma source(%dma_start3A_171 : memref<640x128xf32, #tpu.memory_space<hbm>>) target(%dma_start3A_169 : memref<640x128xf32, #tpu.memory_space<vmem_shared>>) target_semaphore(%run_scoped3A : memref<!tpu.dma_semaphore, #tpu.memory_space<semaphore_mem>>)
      %dma_wait3A_172 = arith.constant 0 : i32
      %dma_wait3A_173 = tpu.memref_slice %arg15[%mul3A_2, %dma_wait3A_172] : memref<10240x128xf32, #tpu.memory_space<vmem_shared>> -> memref<640x128xf32, #tpu.memory_space<vmem_shared>>
      %dma_wait3A_174 = arith.constant 0 : i32
      %dma_wait3A_175 = tpu.memref_slice %arg7[%mul3A_2, %dma_wait3A_174] : memref<10240x128xf32, #tpu.memory_space<hbm>> -> memref<640x128xf32, #tpu.memory_space<hbm>>
      tpu.wait_dma2 semaphore(%run_scoped3A : memref<!tpu.dma_semaphore, #tpu.memory_space<semaphore_mem>>) src(%dma_wait3A_175 : memref<640x128xf32, #tpu.memory_space<hbm>>) dst(%dma_wait3A_173 : memref<640x128xf32, #tpu.memory_space<vmem_shared>>)
      tpu.yield
    }) : () -> ()
    %barrier3A = arith.constant 0 : index
    tpu.barrier barrier_id(%barrier3A)
    "tpu.region"() ({
      %run_scoped3A = tpu.sem_alloc : memref<!tpu.dma_semaphore, #tpu.memory_space<semaphore_mem>>
      %dma_start3A_168 = arith.constant 0 : i32
      %dma_start3A_169 = arith.constant 0 : i32
      %dma_start3A_170 = tpu.memref_slice %arg3[%add3A, %dma_start3A_168, %dma_start3A_169] : memref<32x125x80xi32, #tpu.memory_space<hbm>> -> memref<1x125x80xi32, #tpu.memory_space<hbm>>
      %dma_start3A_171 = tpu.memref_squeeze %dma_start3A_170 : memref<1x125x80xi32, #tpu.memory_space<hbm>> -> memref<125x80xi32, #tpu.memory_space<hbm>>
      %dma_start3A_172 = arith.constant 0 : i32
      %dma_start3A_173 = arith.constant 0 : i32
      %dma_start3A_174 = tpu.memref_slice %arg3[%add3A, %dma_start3A_172, %dma_start3A_173] : memref<32x125x80xi32, #tpu.memory_space<hbm>> -> memref<1x125x80xi32, #tpu.memory_space<hbm>>
      %dma_start3A_175 = tpu.memref_squeeze %dma_start3A_174 : memref<1x125x80xi32, #tpu.memory_space<hbm>> -> memref<125x80xi32, #tpu.memory_space<hbm>>
      tpu.enqueue_dma source(%dma_start3A_175 : memref<125x80xi32, #tpu.memory_space<hbm>>) target(%arg11 : memref<125x80xi32, #tpu.memory_space<vmem>>) target_semaphore(%run_scoped3A : memref<!tpu.dma_semaphore, #tpu.memory_space<semaphore_mem>>)
      %dma_wait3A_176 = arith.constant 0 : i32
      %dma_wait3A_177 = arith.constant 0 : i32
      %dma_wait3A_178 = tpu.memref_slice %arg3[%add3A, %dma_wait3A_176, %dma_wait3A_177] : memref<32x125x80xi32, #tpu.memory_space<hbm>> -> memref<1x125x80xi32, #tpu.memory_space<hbm>>
      %dma_wait3A_179 = tpu.memref_squeeze %dma_wait3A_178 : memref<1x125x80xi32, #tpu.memory_space<hbm>> -> memref<125x80xi32, #tpu.memory_space<hbm>>
      %dma_wait3A_180 = arith.constant 0 : i32
      %dma_wait3A_181 = arith.constant 0 : i32
      %dma_wait3A_182 = tpu.memref_slice %arg3[%add3A, %dma_wait3A_180, %dma_wait3A_181] : memref<32x125x80xi32, #tpu.memory_space<hbm>> -> memref<1x125x80xi32, #tpu.memory_space<hbm>>
      %dma_wait3A_183 = tpu.memref_squeeze %dma_wait3A_182 : memref<1x125x80xi32, #tpu.memory_space<hbm>> -> memref<125x80xi32, #tpu.memory_space<hbm>>
      tpu.wait_dma2 semaphore(%run_scoped3A : memref<!tpu.dma_semaphore, #tpu.memory_space<semaphore_mem>>) src(%dma_wait3A_183 : memref<125x80xi32, #tpu.memory_space<hbm>>) dst(%arg11 : memref<125x80xi32, #tpu.memory_space<vmem>>)
      tpu.yield
    }) : () -> ()
    %rem3A = arith.constant 0 : i32
    %rem3A_3 = arith.constant 125 : i32
    %rem3A_4 = arith.remsi %rem3A, %rem3A_3 : i32
    %dma_start3A = arith.constant 0 : i32
    %dma_start3A_5 = arith.constant 0 : i32
    %dma_start3A_6 = tpu.memref_slice %arg10[%dma_start3A, %dma_start3A_5] : memref<2x80xi32, #tpu.memory_space<vmem>> -> memref<1x80xi32, #tpu.memory_space<vmem>>
    %dma_start3A_7 = tpu.memref_squeeze %dma_start3A_6 : memref<1x80xi32, #tpu.memory_space<vmem>> -> memref<80xi32, #tpu.memory_space<vmem>>
    %dma_start3A_8 = arith.constant 0 : i32
    %dma_start3A_9 = tpu.memref_slice %arg2[%add3A, %rem3A_4, %dma_start3A_8] : memref<32x125x80xi32, #tpu.memory_space<hbm>> -> memref<1x1x80xi32, #tpu.memory_space<hbm>>
    %dma_start3A_10 = tpu.memref_squeeze %dma_start3A_9 : memref<1x1x80xi32, #tpu.memory_space<hbm>> -> memref<80xi32, #tpu.memory_space<hbm>>
    %dma_start3A_11 = arith.constant 0 : i32
    %dma_start3A_12 = tpu.memref_slice %arg10[%dma_start3A, %dma_start3A_11] : memref<2x80xi32, #tpu.memory_space<vmem>> -> memref<1x80xi32, #tpu.memory_space<vmem>>
    %dma_start3A_13 = tpu.memref_squeeze %dma_start3A_12 : memref<1x80xi32, #tpu.memory_space<vmem>> -> memref<80xi32, #tpu.memory_space<vmem>>
    %dma_start3A_14 = arith.constant 0 : i32
    %dma_start3A_15 = tpu.memref_slice %arg2[%add3A, %rem3A_4, %dma_start3A_14] : memref<32x125x80xi32, #tpu.memory_space<hbm>> -> memref<1x1x80xi32, #tpu.memory_space<hbm>>
    %dma_start3A_16 = tpu.memref_squeeze %dma_start3A_15 : memref<1x1x80xi32, #tpu.memory_space<hbm>> -> memref<80xi32, #tpu.memory_space<hbm>>
    tpu.enqueue_dma source(%dma_start3A_16 : memref<80xi32, #tpu.memory_space<hbm>>) target(%dma_start3A_13 : memref<80xi32, #tpu.memory_space<vmem>>) target_semaphore(%arg16 : memref<!tpu.dma_semaphore, #tpu.memory_space<semaphore_mem>>)
    %dma_wait3A = arith.constant 0 : i32
    %dma_wait3A_17 = arith.constant 0 : i32
    %dma_wait3A_18 = arith.constant 0 : i32
    %dma_wait3A_19 = tpu.memref_slice %arg10[%dma_wait3A_17, %dma_wait3A_18] : memref<2x80xi32, #tpu.memory_space<vmem>> -> memref<1x80xi32, #tpu.memory_space<vmem>>
    %dma_wait3A_20 = tpu.memref_squeeze %dma_wait3A_19 : memref<1x80xi32, #tpu.memory_space<vmem>> -> memref<80xi32, #tpu.memory_space<vmem>>
    %dma_wait3A_21 = arith.constant 0 : i32
    %dma_wait3A_22 = tpu.memref_slice %arg2[%add3A, %dma_wait3A, %dma_wait3A_21] : memref<32x125x80xi32, #tpu.memory_space<hbm>> -> memref<1x1x80xi32, #tpu.memory_space<hbm>>
    %dma_wait3A_23 = tpu.memref_squeeze %dma_wait3A_22 : memref<1x1x80xi32, #tpu.memory_space<hbm>> -> memref<80xi32, #tpu.memory_space<hbm>>
    %dma_wait3A_24 = arith.constant 0 : i32
    %dma_wait3A_25 = tpu.memref_slice %arg10[%dma_wait3A_17, %dma_wait3A_24] : memref<2x80xi32, #tpu.memory_space<vmem>> -> memref<1x80xi32, #tpu.memory_space<vmem>>
    %dma_wait3A_26 = tpu.memref_squeeze %dma_wait3A_25 : memref<1x80xi32, #tpu.memory_space<vmem>> -> memref<80xi32, #tpu.memory_space<vmem>>
    %dma_wait3A_27 = arith.constant 0 : i32
    %dma_wait3A_28 = tpu.memref_slice %arg2[%add3A, %dma_wait3A, %dma_wait3A_27] : memref<32x125x80xi32, #tpu.memory_space<hbm>> -> memref<1x1x80xi32, #tpu.memory_space<hbm>>
    %dma_wait3A_29 = tpu.memref_squeeze %dma_wait3A_28 : memref<1x1x80xi32, #tpu.memory_space<hbm>> -> memref<80xi32, #tpu.memory_space<hbm>>
    tpu.wait_dma2 semaphore(%arg16 : memref<!tpu.dma_semaphore, #tpu.memory_space<semaphore_mem>>) src(%dma_wait3A_29 : memref<80xi32, #tpu.memory_space<hbm>>) dst(%dma_wait3A_26 : memref<80xi32, #tpu.memory_space<vmem>>)
    %dma_start3A_30 = arith.constant 0 : i32
    %dma_start3A_31 = arith.constant 0 : i32
    %dma_start3A_32 = arith.constant 0 : i32
    %dma_start3A_33 = arith.constant 0 : i32
    %dma_start3A_34 = tpu.memref_slice %arg12[%dma_start3A_31, %dma_start3A_32, %dma_start3A_33] : memref<2x80x16xf32, #tpu.memory_space<vmem>> -> memref<1x80x16xf32, #tpu.memory_space<vmem>>
    %dma_start3A_35 = tpu.memref_squeeze %dma_start3A_34 : memref<1x80x16xf32, #tpu.memory_space<vmem>> -> memref<80x16xf32, #tpu.memory_space<vmem>>
    %dma_start3A_36 = arith.constant 0 : i32
    %dma_start3A_37 = tpu.memref_slice %arg10[%dma_start3A_30, %dma_start3A_36] : memref<2x80xi32, #tpu.memory_space<vmem>> -> memref<1x80xi32, #tpu.memory_space<vmem>>
    %dma_start3A_38 = tpu.memref_squeeze %dma_start3A_37 : memref<1x80xi32, #tpu.memory_space<vmem>> -> memref<80xi32, #tpu.memory_space<vmem>>
    %dma_start3A_39 = arith.constant 0 : i32
    %dma_start3A_40 = arith.constant 0 : i32
    %dma_start3A_41 = tpu.memref_slice %arg4[%dma_start3A_39, %dma_start3A_40] : memref<10000x16xf32, #tpu.memory_space<hbm>> -> memref<10000x16xf32, #tpu.memory_space<hbm>>
    tpu.enqueue_indirect_dma source(%dma_start3A_41 : memref<10000x16xf32, #tpu.memory_space<hbm>>) target(%dma_start3A_35 : memref<80x16xf32, #tpu.memory_space<vmem>>) offsets(%dma_start3A_38 : memref<80xi32, #tpu.memory_space<vmem>>) semaphore(%arg17 : memref<!tpu.dma_semaphore, #tpu.memory_space<semaphore_mem>>)
    %dma_start3A_42 = arith.constant 0 : i32
    %dma_start3A_43 = arith.constant 0 : i32
    %dma_start3A_44 = arith.constant 0 : i32
    %dma_start3A_45 = arith.constant 0 : i32
    %dma_start3A_46 = tpu.memref_slice %arg13[%dma_start3A_43, %dma_start3A_44, %dma_start3A_45] : memref<2x80x128xf32, #tpu.memory_space<vmem>> -> memref<1x80x128xf32, #tpu.memory_space<vmem>>
    %dma_start3A_47 = tpu.memref_squeeze %dma_start3A_46 : memref<1x80x128xf32, #tpu.memory_space<vmem>> -> memref<80x128xf32, #tpu.memory_space<vmem>>
    %dma_start3A_48 = arith.constant 0 : i32
    %dma_start3A_49 = tpu.memref_slice %arg10[%dma_start3A_42, %dma_start3A_48] : memref<2x80xi32, #tpu.memory_space<vmem>> -> memref<1x80xi32, #tpu.memory_space<vmem>>
    %dma_start3A_50 = tpu.memref_squeeze %dma_start3A_49 : memref<1x80xi32, #tpu.memory_space<vmem>> -> memref<80xi32, #tpu.memory_space<vmem>>
    %dma_start3A_51 = arith.constant 0 : i32
    %dma_start3A_52 = arith.constant 0 : i32
    %dma_start3A_53 = tpu.memref_slice %arg5[%dma_start3A_51, %dma_start3A_52] : memref<10000x128xf32, #tpu.memory_space<hbm>> -> memref<10000x128xf32, #tpu.memory_space<hbm>>
    tpu.enqueue_indirect_dma source(%dma_start3A_53 : memref<10000x128xf32, #tpu.memory_space<hbm>>) target(%dma_start3A_47 : memref<80x128xf32, #tpu.memory_space<vmem>>) offsets(%dma_start3A_50 : memref<80xi32, #tpu.memory_space<vmem>>) semaphore(%arg18 : memref<!tpu.dma_semaphore, #tpu.memory_space<semaphore_mem>>)
    %rem3A_54 = arith.constant 1 : i32
    %rem3A_55 = arith.constant 125 : i32
    %rem3A_56 = arith.remsi %rem3A_54, %rem3A_55 : i32
    %dma_start3A_57 = arith.constant 1 : i32
    %dma_start3A_58 = arith.constant 0 : i32
    %dma_start3A_59 = tpu.memref_slice %arg10[%dma_start3A_57, %dma_start3A_58] : memref<2x80xi32, #tpu.memory_space<vmem>> -> memref<1x80xi32, #tpu.memory_space<vmem>>
    %dma_start3A_60 = tpu.memref_squeeze %dma_start3A_59 : memref<1x80xi32, #tpu.memory_space<vmem>> -> memref<80xi32, #tpu.memory_space<vmem>>
    %dma_start3A_61 = arith.constant 0 : i32
    %dma_start3A_62 = tpu.memref_slice %arg2[%add3A, %rem3A_56, %dma_start3A_61] : memref<32x125x80xi32, #tpu.memory_space<hbm>> -> memref<1x1x80xi32, #tpu.memory_space<hbm>>
    %dma_start3A_63 = tpu.memref_squeeze %dma_start3A_62 : memref<1x1x80xi32, #tpu.memory_space<hbm>> -> memref<80xi32, #tpu.memory_space<hbm>>
    %dma_start3A_64 = arith.constant 0 : i32
    %dma_start3A_65 = tpu.memref_slice %arg10[%dma_start3A_57, %dma_start3A_64] : memref<2x80xi32, #tpu.memory_space<vmem>> -> memref<1x80xi32, #tpu.memory_space<vmem>>
    %dma_start3A_66 = tpu.memref_squeeze %dma_start3A_65 : memref<1x80xi32, #tpu.memory_space<vmem>> -> memref<80xi32, #tpu.memory_space<vmem>>
    %dma_start3A_67 = arith.constant 0 : i32
    %dma_start3A_68 = tpu.memref_slice %arg2[%add3A, %rem3A_56, %dma_start3A_67] : memref<32x125x80xi32, #tpu.memory_space<hbm>> -> memref<1x1x80xi32, #tpu.memory_space<hbm>>
    %dma_start3A_69 = tpu.memref_squeeze %dma_start3A_68 : memref<1x1x80xi32, #tpu.memory_space<hbm>> -> memref<80xi32, #tpu.memory_space<hbm>>
    tpu.enqueue_dma source(%dma_start3A_69 : memref<80xi32, #tpu.memory_space<hbm>>) target(%dma_start3A_66 : memref<80xi32, #tpu.memory_space<vmem>>) target_semaphore(%arg16 : memref<!tpu.dma_semaphore, #tpu.memory_space<semaphore_mem>>)
    %scan3A = arith.constant 0 : i32
    %scan3A_70 = arith.constant 0 : i32
    %scan3A_71 = arith.constant 62 : i32
    %scan3A_72 = arith.addi %scan3A_70, %scan3A_71 : i32
    %scan3A_73 = arith.constant 1 : i32
    scf.for %scan3A_168 = %scan3A_70 to %scan3A_72 step %scan3A_73  : i32 {
      %mul3A_169 = arith.constant 2 : i32
      %mul3A_170 = arith.muli %mul3A_169, %scan3A_168 : i32
      %add3A_171 = arith.constant 1 : i32
      %add3A_172 = arith.addi %mul3A_170, %add3A_171 : i32
      %dma_wait3A_173 = arith.constant 0 : i32
      %dma_wait3A_174 = arith.constant 1 : i32
      %dma_wait3A_175 = arith.constant 0 : i32
      %dma_wait3A_176 = tpu.memref_slice %arg10[%dma_wait3A_174, %dma_wait3A_175] : memref<2x80xi32, #tpu.memory_space<vmem>> -> memref<1x80xi32, #tpu.memory_space<vmem>>
      %dma_wait3A_177 = tpu.memref_squeeze %dma_wait3A_176 : memref<1x80xi32, #tpu.memory_space<vmem>> -> memref<80xi32, #tpu.memory_space<vmem>>
      %dma_wait3A_178 = arith.constant 0 : i32
      %dma_wait3A_179 = tpu.memref_slice %arg2[%add3A, %dma_wait3A_173, %dma_wait3A_178] : memref<32x125x80xi32, #tpu.memory_space<hbm>> -> memref<1x1x80xi32, #tpu.memory_space<hbm>>
      %dma_wait3A_180 = tpu.memref_squeeze %dma_wait3A_179 : memref<1x1x80xi32, #tpu.memory_space<hbm>> -> memref<80xi32, #tpu.memory_space<hbm>>
      %dma_wait3A_181 = arith.constant 0 : i32
      %dma_wait3A_182 = tpu.memref_slice %arg10[%dma_wait3A_174, %dma_wait3A_181] : memref<2x80xi32, #tpu.memory_space<vmem>> -> memref<1x80xi32, #tpu.memory_space<vmem>>
      %dma_wait3A_183 = tpu.memref_squeeze %dma_wait3A_182 : memref<1x80xi32, #tpu.memory_space<vmem>> -> memref<80xi32, #tpu.memory_space<vmem>>
      %dma_wait3A_184 = arith.constant 0 : i32
      %dma_wait3A_185 = tpu.memref_slice %arg2[%add3A, %dma_wait3A_173, %dma_wait3A_184] : memref<32x125x80xi32, #tpu.memory_space<hbm>> -> memref<1x1x80xi32, #tpu.memory_space<hbm>>
      %dma_wait3A_186 = tpu.memref_squeeze %dma_wait3A_185 : memref<1x1x80xi32, #tpu.memory_space<hbm>> -> memref<80xi32, #tpu.memory_space<hbm>>
      tpu.wait_dma2 semaphore(%arg16 : memref<!tpu.dma_semaphore, #tpu.memory_space<semaphore_mem>>) src(%dma_wait3A_186 : memref<80xi32, #tpu.memory_space<hbm>>) dst(%dma_wait3A_183 : memref<80xi32, #tpu.memory_space<vmem>>)
      %dma_start3A_187 = arith.constant 1 : i32
      %dma_start3A_188 = arith.constant 1 : i32
      %dma_start3A_189 = arith.constant 0 : i32
      %dma_start3A_190 = arith.constant 0 : i32
      %dma_start3A_191 = tpu.memref_slice %arg12[%dma_start3A_188, %dma_start3A_189, %dma_start3A_190] : memref<2x80x16xf32, #tpu.memory_space<vmem>> -> memref<1x80x16xf32, #tpu.memory_space<vmem>>
      %dma_start3A_192 = tpu.memref_squeeze %dma_start3A_191 : memref<1x80x16xf32, #tpu.memory_space<vmem>> -> memref<80x16xf32, #tpu.memory_space<vmem>>
      %dma_start3A_193 = arith.constant 0 : i32
      %dma_start3A_194 = tpu.memref_slice %arg10[%dma_start3A_187, %dma_start3A_193] : memref<2x80xi32, #tpu.memory_space<vmem>> -> memref<1x80xi32, #tpu.memory_space<vmem>>
      %dma_start3A_195 = tpu.memref_squeeze %dma_start3A_194 : memref<1x80xi32, #tpu.memory_space<vmem>> -> memref<80xi32, #tpu.memory_space<vmem>>
      %dma_start3A_196 = arith.constant 0 : i32
      %dma_start3A_197 = arith.constant 0 : i32
      %dma_start3A_198 = tpu.memref_slice %arg4[%dma_start3A_196, %dma_start3A_197] : memref<10000x16xf32, #tpu.memory_space<hbm>> -> memref<10000x16xf32, #tpu.memory_space<hbm>>
      tpu.enqueue_indirect_dma source(%dma_start3A_198 : memref<10000x16xf32, #tpu.memory_space<hbm>>) target(%dma_start3A_192 : memref<80x16xf32, #tpu.memory_space<vmem>>) offsets(%dma_start3A_195 : memref<80xi32, #tpu.memory_space<vmem>>) semaphore(%arg17 : memref<!tpu.dma_semaphore, #tpu.memory_space<semaphore_mem>>)
      %dma_start3A_199 = arith.constant 1 : i32
      %dma_start3A_200 = arith.constant 1 : i32
      %dma_start3A_201 = arith.constant 0 : i32
      %dma_start3A_202 = arith.constant 0 : i32
      %dma_start3A_203 = tpu.memref_slice %arg13[%dma_start3A_200, %dma_start3A_201, %dma_start3A_202] : memref<2x80x128xf32, #tpu.memory_space<vmem>> -> memref<1x80x128xf32, #tpu.memory_space<vmem>>
      %dma_start3A_204 = tpu.memref_squeeze %dma_start3A_203 : memref<1x80x128xf32, #tpu.memory_space<vmem>> -> memref<80x128xf32, #tpu.memory_space<vmem>>
      %dma_start3A_205 = arith.constant 0 : i32
      %dma_start3A_206 = tpu.memref_slice %arg10[%dma_start3A_199, %dma_start3A_205] : memref<2x80xi32, #tpu.memory_space<vmem>> -> memref<1x80xi32, #tpu.memory_space<vmem>>
      %dma_start3A_207 = tpu.memref_squeeze %dma_start3A_206 : memref<1x80xi32, #tpu.memory_space<vmem>> -> memref<80xi32, #tpu.memory_space<vmem>>
      %dma_start3A_208 = arith.constant 0 : i32
      %dma_start3A_209 = arith.constant 0 : i32
      %dma_start3A_210 = tpu.memref_slice %arg5[%dma_start3A_208, %dma_start3A_209] : memref<10000x128xf32, #tpu.memory_space<hbm>> -> memref<10000x128xf32, #tpu.memory_space<hbm>>
      tpu.enqueue_indirect_dma source(%dma_start3A_210 : memref<10000x128xf32, #tpu.memory_space<hbm>>) target(%dma_start3A_204 : memref<80x128xf32, #tpu.memory_space<vmem>>) offsets(%dma_start3A_207 : memref<80xi32, #tpu.memory_space<vmem>>) semaphore(%arg18 : memref<!tpu.dma_semaphore, #tpu.memory_space<semaphore_mem>>)
      %dma_wait3A_211 = arith.constant 0 : i32
      %dma_wait3A_212 = arith.constant 0 : i32
      %dma_wait3A_213 = arith.constant 0 : i32
      %dma_wait3A_214 = arith.constant 0 : i32
      %dma_wait3A_215 = tpu.memref_slice %arg12[%dma_wait3A_212, %dma_wait3A_213, %dma_wait3A_214] : memref<2x80x16xf32, #tpu.memory_space<vmem>> -> memref<1x80x16xf32, #tpu.memory_space<vmem>>
      %dma_wait3A_216 = tpu.memref_squeeze %dma_wait3A_215 : memref<1x80x16xf32, #tpu.memory_space<vmem>> -> memref<80x16xf32, #tpu.memory_space<vmem>>
      %dma_wait3A_217 = arith.constant 0 : i32
      %dma_wait3A_218 = tpu.memref_slice %arg10[%dma_wait3A_211, %dma_wait3A_217] : memref<2x80xi32, #tpu.memory_space<vmem>> -> memref<1x80xi32, #tpu.memory_space<vmem>>
      %dma_wait3A_219 = tpu.memref_squeeze %dma_wait3A_218 : memref<1x80xi32, #tpu.memory_space<vmem>> -> memref<80xi32, #tpu.memory_space<vmem>>
      %dma_wait3A_220 = arith.constant 0 : i32
      %dma_wait3A_221 = arith.constant 0 : i32
      %dma_wait3A_222 = tpu.memref_slice %arg4[%dma_wait3A_220, %dma_wait3A_221] : memref<10000x16xf32, #tpu.memory_space<hbm>> -> memref<10000x16xf32, #tpu.memory_space<hbm>>
      tpu.wait_indirect_dma semaphore(%arg17 : memref<!tpu.dma_semaphore, #tpu.memory_space<semaphore_mem>>) src(%dma_wait3A_222 : memref<10000x16xf32, #tpu.memory_space<hbm>>) dst(%dma_wait3A_216 : memref<80x16xf32, #tpu.memory_space<vmem>>)
      %dma_wait3A_223 = arith.constant 0 : i32
      %dma_wait3A_224 = arith.constant 0 : i32
      %dma_wait3A_225 = arith.constant 0 : i32
      %dma_wait3A_226 = arith.constant 0 : i32
      %dma_wait3A_227 = tpu.memref_slice %arg13[%dma_wait3A_224, %dma_wait3A_225, %dma_wait3A_226] : memref<2x80x128xf32, #tpu.memory_space<vmem>> -> memref<1x80x128xf32, #tpu.memory_space<vmem>>
      %dma_wait3A_228 = tpu.memref_squeeze %dma_wait3A_227 : memref<1x80x128xf32, #tpu.memory_space<vmem>> -> memref<80x128xf32, #tpu.memory_space<vmem>>
      %dma_wait3A_229 = arith.constant 0 : i32
      %dma_wait3A_230 = tpu.memref_slice %arg10[%dma_wait3A_223, %dma_wait3A_229] : memref<2x80xi32, #tpu.memory_space<vmem>> -> memref<1x80xi32, #tpu.memory_space<vmem>>
      %dma_wait3A_231 = tpu.memref_squeeze %dma_wait3A_230 : memref<1x80xi32, #tpu.memory_space<vmem>> -> memref<80xi32, #tpu.memory_space<vmem>>
      %dma_wait3A_232 = arith.constant 0 : i32
      %dma_wait3A_233 = arith.constant 0 : i32
      %dma_wait3A_234 = tpu.memref_slice %arg5[%dma_wait3A_232, %dma_wait3A_233] : memref<10000x128xf32, #tpu.memory_space<hbm>> -> memref<10000x128xf32, #tpu.memory_space<hbm>>
      tpu.wait_indirect_dma semaphore(%arg18 : memref<!tpu.dma_semaphore, #tpu.memory_space<semaphore_mem>>) src(%dma_wait3A_234 : memref<10000x128xf32, #tpu.memory_space<hbm>>) dst(%dma_wait3A_228 : memref<80x128xf32, #tpu.memory_space<vmem>>)
      %dma_start3A_235 = arith.constant 0 : i32
      %dma_start3A_236 = arith.constant 0 : i32
      %dma_start3A_237 = arith.constant 0 : i32
      %dma_start3A_238 = tpu.memref_slice %arg12[%dma_start3A_235, %dma_start3A_236, %dma_start3A_237] : memref<2x80x16xf32, #tpu.memory_space<vmem>> -> memref<1x80x16xf32, #tpu.memory_space<vmem>>
      %dma_start3A_239 = tpu.memref_squeeze %dma_start3A_238 : memref<1x80x16xf32, #tpu.memory_space<vmem>> -> memref<80x16xf32, #tpu.memory_space<vmem>>
      %dma_start3A_240 = arith.constant 0 : i32
      %dma_start3A_241 = tpu.memref_slice %arg11[%mul3A_170, %dma_start3A_240] : memref<125x80xi32, #tpu.memory_space<vmem>> -> memref<1x80xi32, #tpu.memory_space<vmem>>
      %dma_start3A_242 = tpu.memref_squeeze %dma_start3A_241 : memref<1x80xi32, #tpu.memory_space<vmem>> -> memref<80xi32, #tpu.memory_space<vmem>>
      %dma_start3A_243 = arith.constant 0 : i32
      %dma_start3A_244 = arith.constant 0 : i32
      %dma_start3A_245 = tpu.memref_slice %arg14[%dma_start3A_243, %dma_start3A_244] : memref<10240x16xf32, #tpu.memory_space<vmem_shared>> -> memref<10240x16xf32, #tpu.memory_space<vmem_shared>>
      tpu.enqueue_indirect_dma source(%dma_start3A_239 : memref<80x16xf32, #tpu.memory_space<vmem>>) target(%dma_start3A_245 : memref<10240x16xf32, #tpu.memory_space<vmem_shared>>) offsets(%dma_start3A_242 : memref<80xi32, #tpu.memory_space<vmem>>) semaphore(%arg19 : memref<!tpu.dma_semaphore, #tpu.memory_space<semaphore_mem>>) {add = true}
      %dma_start3A_246 = arith.constant 0 : i32
      %dma_start3A_247 = arith.constant 0 : i32
      %dma_start3A_248 = arith.constant 0 : i32
      %dma_start3A_249 = tpu.memref_slice %arg13[%dma_start3A_246, %dma_start3A_247, %dma_start3A_248] : memref<2x80x128xf32, #tpu.memory_space<vmem>> -> memref<1x80x128xf32, #tpu.memory_space<vmem>>
      %dma_start3A_250 = tpu.memref_squeeze %dma_start3A_249 : memref<1x80x128xf32, #tpu.memory_space<vmem>> -> memref<80x128xf32, #tpu.memory_space<vmem>>
      %dma_start3A_251 = arith.constant 0 : i32
      %dma_start3A_252 = tpu.memref_slice %arg11[%mul3A_170, %dma_start3A_251] : memref<125x80xi32, #tpu.memory_space<vmem>> -> memref<1x80xi32, #tpu.memory_space<vmem>>
      %dma_start3A_253 = tpu.memref_squeeze %dma_start3A_252 : memref<1x80xi32, #tpu.memory_space<vmem>> -> memref<80xi32, #tpu.memory_space<vmem>>
      %dma_start3A_254 = arith.constant 0 : i32
      %dma_start3A_255 = arith.constant 0 : i32
      %dma_start3A_256 = tpu.memref_slice %arg15[%dma_start3A_254, %dma_start3A_255] : memref<10240x128xf32, #tpu.memory_space<vmem_shared>> -> memref<10240x128xf32, #tpu.memory_space<vmem_shared>>
      tpu.enqueue_indirect_dma source(%dma_start3A_250 : memref<80x128xf32, #tpu.memory_space<vmem>>) target(%dma_start3A_256 : memref<10240x128xf32, #tpu.memory_space<vmem_shared>>) offsets(%dma_start3A_253 : memref<80xi32, #tpu.memory_space<vmem>>) semaphore(%arg20 : memref<!tpu.dma_semaphore, #tpu.memory_space<semaphore_mem>>) {add = true}
      %add3A_257 = arith.constant 2 : i32
      %add3A_258 = arith.addi %mul3A_170, %add3A_257 : i32
      %rem3A_259 = arith.constant 125 : i32
      %rem3A_260 = arith.remsi %add3A_258, %rem3A_259 : i32
      %dma_start3A_261 = arith.constant 0 : i32
      %dma_start3A_262 = arith.constant 0 : i32
      %dma_start3A_263 = tpu.memref_slice %arg10[%dma_start3A_261, %dma_start3A_262] : memref<2x80xi32, #tpu.memory_space<vmem>> -> memref<1x80xi32, #tpu.memory_space<vmem>>
      %dma_start3A_264 = tpu.memref_squeeze %dma_start3A_263 : memref<1x80xi32, #tpu.memory_space<vmem>> -> memref<80xi32, #tpu.memory_space<vmem>>
      %dma_start3A_265 = arith.constant 0 : i32
      %dma_start3A_266 = tpu.memref_slice %arg2[%add3A, %rem3A_260, %dma_start3A_265] : memref<32x125x80xi32, #tpu.memory_space<hbm>> -> memref<1x1x80xi32, #tpu.memory_space<hbm>>
      %dma_start3A_267 = tpu.memref_squeeze %dma_start3A_266 : memref<1x1x80xi32, #tpu.memory_space<hbm>> -> memref<80xi32, #tpu.memory_space<hbm>>
      %dma_start3A_268 = arith.constant 0 : i32
      %dma_start3A_269 = tpu.memref_slice %arg10[%dma_start3A_261, %dma_start3A_268] : memref<2x80xi32, #tpu.memory_space<vmem>> -> memref<1x80xi32, #tpu.memory_space<vmem>>
      %dma_start3A_270 = tpu.memref_squeeze %dma_start3A_269 : memref<1x80xi32, #tpu.memory_space<vmem>> -> memref<80xi32, #tpu.memory_space<vmem>>
      %dma_start3A_271 = arith.constant 0 : i32
      %dma_start3A_272 = tpu.memref_slice %arg2[%add3A, %rem3A_260, %dma_start3A_271] : memref<32x125x80xi32, #tpu.memory_space<hbm>> -> memref<1x1x80xi32, #tpu.memory_space<hbm>>
      %dma_start3A_273 = tpu.memref_squeeze %dma_start3A_272 : memref<1x1x80xi32, #tpu.memory_space<hbm>> -> memref<80xi32, #tpu.memory_space<hbm>>
      tpu.enqueue_dma source(%dma_start3A_273 : memref<80xi32, #tpu.memory_space<hbm>>) target(%dma_start3A_270 : memref<80xi32, #tpu.memory_space<vmem>>) target_semaphore(%arg16 : memref<!tpu.dma_semaphore, #tpu.memory_space<semaphore_mem>>)
      %dma_wait3A_274 = arith.constant 1 : i32
      %dma_wait3A_275 = arith.constant 1 : i32
      %dma_wait3A_276 = arith.constant 0 : i32
      %dma_wait3A_277 = arith.constant 0 : i32
      %dma_wait3A_278 = tpu.memref_slice %arg12[%dma_wait3A_275, %dma_wait3A_276, %dma_wait3A_277] : memref<2x80x16xf32, #tpu.memory_space<vmem>> -> memref<1x80x16xf32, #tpu.memory_space<vmem>>
      %dma_wait3A_279 = tpu.memref_squeeze %dma_wait3A_278 : memref<1x80x16xf32, #tpu.memory_space<vmem>> -> memref<80x16xf32, #tpu.memory_space<vmem>>
      %dma_wait3A_280 = arith.constant 0 : i32
      %dma_wait3A_281 = tpu.memref_slice %arg10[%dma_wait3A_274, %dma_wait3A_280] : memref<2x80xi32, #tpu.memory_space<vmem>> -> memref<1x80xi32, #tpu.memory_space<vmem>>
      %dma_wait3A_282 = tpu.memref_squeeze %dma_wait3A_281 : memref<1x80xi32, #tpu.memory_space<vmem>> -> memref<80xi32, #tpu.memory_space<vmem>>
      %dma_wait3A_283 = arith.constant 0 : i32
      %dma_wait3A_284 = arith.constant 0 : i32
      %dma_wait3A_285 = tpu.memref_slice %arg4[%dma_wait3A_283, %dma_wait3A_284] : memref<10000x16xf32, #tpu.memory_space<hbm>> -> memref<10000x16xf32, #tpu.memory_space<hbm>>
      tpu.wait_indirect_dma semaphore(%arg17 : memref<!tpu.dma_semaphore, #tpu.memory_space<semaphore_mem>>) src(%dma_wait3A_285 : memref<10000x16xf32, #tpu.memory_space<hbm>>) dst(%dma_wait3A_279 : memref<80x16xf32, #tpu.memory_space<vmem>>)
      %dma_wait3A_286 = arith.constant 1 : i32
      %dma_wait3A_287 = arith.constant 1 : i32
      %dma_wait3A_288 = arith.constant 0 : i32
      %dma_wait3A_289 = arith.constant 0 : i32
      %dma_wait3A_290 = tpu.memref_slice %arg13[%dma_wait3A_287, %dma_wait3A_288, %dma_wait3A_289] : memref<2x80x128xf32, #tpu.memory_space<vmem>> -> memref<1x80x128xf32, #tpu.memory_space<vmem>>
      %dma_wait3A_291 = tpu.memref_squeeze %dma_wait3A_290 : memref<1x80x128xf32, #tpu.memory_space<vmem>> -> memref<80x128xf32, #tpu.memory_space<vmem>>
      %dma_wait3A_292 = arith.constant 0 : i32
      %dma_wait3A_293 = tpu.memref_slice %arg10[%dma_wait3A_286, %dma_wait3A_292] : memref<2x80xi32, #tpu.memory_space<vmem>> -> memref<1x80xi32, #tpu.memory_space<vmem>>
      %dma_wait3A_294 = tpu.memref_squeeze %dma_wait3A_293 : memref<1x80xi32, #tpu.memory_space<vmem>> -> memref<80xi32, #tpu.memory_space<vmem>>
      %dma_wait3A_295 = arith.constant 0 : i32
      %dma_wait3A_296 = arith.constant 0 : i32
      %dma_wait3A_297 = tpu.memref_slice %arg5[%dma_wait3A_295, %dma_wait3A_296] : memref<10000x128xf32, #tpu.memory_space<hbm>> -> memref<10000x128xf32, #tpu.memory_space<hbm>>
      tpu.wait_indirect_dma semaphore(%arg18 : memref<!tpu.dma_semaphore, #tpu.memory_space<semaphore_mem>>) src(%dma_wait3A_297 : memref<10000x128xf32, #tpu.memory_space<hbm>>) dst(%dma_wait3A_291 : memref<80x128xf32, #tpu.memory_space<vmem>>)
      %dma_start3A_298 = arith.constant 1 : i32
      %dma_start3A_299 = arith.constant 0 : i32
      %dma_start3A_300 = arith.constant 0 : i32
      %dma_start3A_301 = tpu.memref_slice %arg12[%dma_start3A_298, %dma_start3A_299, %dma_start3A_300] : memref<2x80x16xf32, #tpu.memory_space<vmem>> -> memref<1x80x16xf32, #tpu.memory_space<vmem>>
      %dma_start3A_302 = tpu.memref_squeeze %dma_start3A_301 : memref<1x80x16xf32, #tpu.memory_space<vmem>> -> memref<80x16xf32, #tpu.memory_space<vmem>>
      %dma_start3A_303 = arith.constant 0 : i32
      %dma_start3A_304 = tpu.memref_slice %arg11[%add3A_172, %dma_start3A_303] : memref<125x80xi32, #tpu.memory_space<vmem>> -> memref<1x80xi32, #tpu.memory_space<vmem>>
      %dma_start3A_305 = tpu.memref_squeeze %dma_start3A_304 : memref<1x80xi32, #tpu.memory_space<vmem>> -> memref<80xi32, #tpu.memory_space<vmem>>
      %dma_start3A_306 = arith.constant 0 : i32
      %dma_start3A_307 = arith.constant 0 : i32
      %dma_start3A_308 = tpu.memref_slice %arg14[%dma_start3A_306, %dma_start3A_307] : memref<10240x16xf32, #tpu.memory_space<vmem_shared>> -> memref<10240x16xf32, #tpu.memory_space<vmem_shared>>
      tpu.enqueue_indirect_dma source(%dma_start3A_302 : memref<80x16xf32, #tpu.memory_space<vmem>>) target(%dma_start3A_308 : memref<10240x16xf32, #tpu.memory_space<vmem_shared>>) offsets(%dma_start3A_305 : memref<80xi32, #tpu.memory_space<vmem>>) semaphore(%arg19 : memref<!tpu.dma_semaphore, #tpu.memory_space<semaphore_mem>>) {add = true}
      %dma_start3A_309 = arith.constant 1 : i32
      %dma_start3A_310 = arith.constant 0 : i32
      %dma_start3A_311 = arith.constant 0 : i32
      %dma_start3A_312 = tpu.memref_slice %arg13[%dma_start3A_309, %dma_start3A_310, %dma_start3A_311] : memref<2x80x128xf32, #tpu.memory_space<vmem>> -> memref<1x80x128xf32, #tpu.memory_space<vmem>>
      %dma_start3A_313 = tpu.memref_squeeze %dma_start3A_312 : memref<1x80x128xf32, #tpu.memory_space<vmem>> -> memref<80x128xf32, #tpu.memory_space<vmem>>
      %dma_start3A_314 = arith.constant 0 : i32
      %dma_start3A_315 = tpu.memref_slice %arg11[%add3A_172, %dma_start3A_314] : memref<125x80xi32, #tpu.memory_space<vmem>> -> memref<1x80xi32, #tpu.memory_space<vmem>>
      %dma_start3A_316 = tpu.memref_squeeze %dma_start3A_315 : memref<1x80xi32, #tpu.memory_space<vmem>> -> memref<80xi32, #tpu.memory_space<vmem>>
      %dma_start3A_317 = arith.constant 0 : i32
      %dma_start3A_318 = arith.constant 0 : i32
      %dma_start3A_319 = tpu.memref_slice %arg15[%dma_start3A_317, %dma_start3A_318] : memref<10240x128xf32, #tpu.memory_space<vmem_shared>> -> memref<10240x128xf32, #tpu.memory_space<vmem_shared>>
      tpu.enqueue_indirect_dma source(%dma_start3A_313 : memref<80x128xf32, #tpu.memory_space<vmem>>) target(%dma_start3A_319 : memref<10240x128xf32, #tpu.memory_space<vmem_shared>>) offsets(%dma_start3A_316 : memref<80xi32, #tpu.memory_space<vmem>>) semaphore(%arg20 : memref<!tpu.dma_semaphore, #tpu.memory_space<semaphore_mem>>) {add = true}
      %add3A_320 = arith.constant 2 : i32
      %add3A_321 = arith.addi %add3A_172, %add3A_320 : i32
      %rem3A_322 = arith.constant 125 : i32
      %rem3A_323 = arith.remsi %add3A_321, %rem3A_322 : i32
      %dma_start3A_324 = arith.constant 1 : i32
      %dma_start3A_325 = arith.constant 0 : i32
      %dma_start3A_326 = tpu.memref_slice %arg10[%dma_start3A_324, %dma_start3A_325] : memref<2x80xi32, #tpu.memory_space<vmem>> -> memref<1x80xi32, #tpu.memory_space<vmem>>
      %dma_start3A_327 = tpu.memref_squeeze %dma_start3A_326 : memref<1x80xi32, #tpu.memory_space<vmem>> -> memref<80xi32, #tpu.memory_space<vmem>>
      %dma_start3A_328 = arith.constant 0 : i32
      %dma_start3A_329 = tpu.memref_slice %arg2[%add3A, %rem3A_323, %dma_start3A_328] : memref<32x125x80xi32, #tpu.memory_space<hbm>> -> memref<1x1x80xi32, #tpu.memory_space<hbm>>
      %dma_start3A_330 = tpu.memref_squeeze %dma_start3A_329 : memref<1x1x80xi32, #tpu.memory_space<hbm>> -> memref<80xi32, #tpu.memory_space<hbm>>
      %dma_start3A_331 = arith.constant 0 : i32
      %dma_start3A_332 = tpu.memref_slice %arg10[%dma_start3A_324, %dma_start3A_331] : memref<2x80xi32, #tpu.memory_space<vmem>> -> memref<1x80xi32, #tpu.memory_space<vmem>>
      %dma_start3A_333 = tpu.memref_squeeze %dma_start3A_332 : memref<1x80xi32, #tpu.memory_space<vmem>> -> memref<80xi32, #tpu.memory_space<vmem>>
      %dma_start3A_334 = arith.constant 0 : i32
      %dma_start3A_335 = tpu.memref_slice %arg2[%add3A, %rem3A_323, %dma_start3A_334] : memref<32x125x80xi32, #tpu.memory_space<hbm>> -> memref<1x1x80xi32, #tpu.memory_space<hbm>>
      %dma_start3A_336 = tpu.memref_squeeze %dma_start3A_335 : memref<1x1x80xi32, #tpu.memory_space<hbm>> -> memref<80xi32, #tpu.memory_space<hbm>>
      tpu.enqueue_dma source(%dma_start3A_336 : memref<80xi32, #tpu.memory_space<hbm>>) target(%dma_start3A_333 : memref<80xi32, #tpu.memory_space<vmem>>) target_semaphore(%arg16 : memref<!tpu.dma_semaphore, #tpu.memory_space<semaphore_mem>>)
      %dma_wait3A_337 = arith.constant 0 : i32
      %dma_wait3A_338 = arith.constant 0 : i32
      %dma_wait3A_339 = arith.constant 0 : i32
      %dma_wait3A_340 = tpu.memref_slice %arg12[%dma_wait3A_337, %dma_wait3A_338, %dma_wait3A_339] : memref<2x80x16xf32, #tpu.memory_space<vmem>> -> memref<1x80x16xf32, #tpu.memory_space<vmem>>
      %dma_wait3A_341 = tpu.memref_squeeze %dma_wait3A_340 : memref<1x80x16xf32, #tpu.memory_space<vmem>> -> memref<80x16xf32, #tpu.memory_space<vmem>>
      %dma_wait3A_342 = arith.constant 0 : i32
      %dma_wait3A_343 = arith.constant 0 : i32
      %dma_wait3A_344 = tpu.memref_slice %arg14[%dma_wait3A_342, %dma_wait3A_343] : memref<10240x16xf32, #tpu.memory_space<vmem_shared>> -> memref<80x16xf32, #tpu.memory_space<vmem_shared>>
      %dma_wait3A_345 = arith.constant 0 : i32
      %dma_wait3A_346 = arith.constant 0 : i32
      %dma_wait3A_347 = tpu.memref_slice %arg14[%dma_wait3A_345, %dma_wait3A_346] : memref<10240x16xf32, #tpu.memory_space<vmem_shared>> -> memref<80x16xf32, #tpu.memory_space<vmem_shared>>
      %dma_wait3A_348 = arith.constant 0 : i32
      %dma_wait3A_349 = arith.constant 0 : i32
      %dma_wait3A_350 = tpu.memref_slice %arg12[%dma_wait3A_337, %dma_wait3A_348, %dma_wait3A_349] : memref<2x80x16xf32, #tpu.memory_space<vmem>> -> memref<1x80x16xf32, #tpu.memory_space<vmem>>
      %dma_wait3A_351 = tpu.memref_squeeze %dma_wait3A_350 : memref<1x80x16xf32, #tpu.memory_space<vmem>> -> memref<80x16xf32, #tpu.memory_space<vmem>>
      tpu.wait_dma2 semaphore(%arg19 : memref<!tpu.dma_semaphore, #tpu.memory_space<semaphore_mem>>) src(%dma_wait3A_351 : memref<80x16xf32, #tpu.memory_space<vmem>>) dst(%dma_wait3A_347 : memref<80x16xf32, #tpu.memory_space<vmem_shared>>)
      %dma_wait3A_352 = arith.constant 0 : i32
      %dma_wait3A_353 = arith.constant 0 : i32
      %dma_wait3A_354 = arith.constant 0 : i32
      %dma_wait3A_355 = tpu.memref_slice %arg13[%dma_wait3A_352, %dma_wait3A_353, %dma_wait3A_354] : memref<2x80x128xf32, #tpu.memory_space<vmem>> -> memref<1x80x128xf32, #tpu.memory_space<vmem>>
      %dma_wait3A_356 = tpu.memref_squeeze %dma_wait3A_355 : memref<1x80x128xf32, #tpu.memory_space<vmem>> -> memref<80x128xf32, #tpu.memory_space<vmem>>
      %dma_wait3A_357 = arith.constant 0 : i32
      %dma_wait3A_358 = arith.constant 0 : i32
      %dma_wait3A_359 = tpu.memref_slice %arg15[%dma_wait3A_357, %dma_wait3A_358] : memref<10240x128xf32, #tpu.memory_space<vmem_shared>> -> memref<80x128xf32, #tpu.memory_space<vmem_shared>>
      %dma_wait3A_360 = arith.constant 0 : i32
      %dma_wait3A_361 = arith.constant 0 : i32
      %dma_wait3A_362 = tpu.memref_slice %arg15[%dma_wait3A_360, %dma_wait3A_361] : memref<10240x128xf32, #tpu.memory_space<vmem_shared>> -> memref<80x128xf32, #tpu.memory_space<vmem_shared>>
      %dma_wait3A_363 = arith.constant 0 : i32
      %dma_wait3A_364 = arith.constant 0 : i32
      %dma_wait3A_365 = tpu.memref_slice %arg13[%dma_wait3A_352, %dma_wait3A_363, %dma_wait3A_364] : memref<2x80x128xf32, #tpu.memory_space<vmem>> -> memref<1x80x128xf32, #tpu.memory_space<vmem>>
      %dma_wait3A_366 = tpu.memref_squeeze %dma_wait3A_365 : memref<1x80x128xf32, #tpu.memory_space<vmem>> -> memref<80x128xf32, #tpu.memory_space<vmem>>
      tpu.wait_dma2 semaphore(%arg20 : memref<!tpu.dma_semaphore, #tpu.memory_space<semaphore_mem>>) src(%dma_wait3A_366 : memref<80x128xf32, #tpu.memory_space<vmem>>) dst(%dma_wait3A_362 : memref<80x128xf32, #tpu.memory_space<vmem_shared>>)
      %dma_wait3A_367 = arith.constant 0 : i32
      %dma_wait3A_368 = arith.constant 0 : i32
      %dma_wait3A_369 = arith.constant 0 : i32
      %dma_wait3A_370 = tpu.memref_slice %arg10[%dma_wait3A_368, %dma_wait3A_369] : memref<2x80xi32, #tpu.memory_space<vmem>> -> memref<1x80xi32, #tpu.memory_space<vmem>>
      %dma_wait3A_371 = tpu.memref_squeeze %dma_wait3A_370 : memref<1x80xi32, #tpu.memory_space<vmem>> -> memref<80xi32, #tpu.memory_space<vmem>>
      %dma_wait3A_372 = arith.constant 0 : i32
      %dma_wait3A_373 = tpu.memref_slice %arg2[%add3A, %dma_wait3A_367, %dma_wait3A_372] : memref<32x125x80xi32, #tpu.memory_space<hbm>> -> memref<1x1x80xi32, #tpu.memory_space<hbm>>
      %dma_wait3A_374 = tpu.memref_squeeze %dma_wait3A_373 : memref<1x1x80xi32, #tpu.memory_space<hbm>> -> memref<80xi32, #tpu.memory_space<hbm>>
      %dma_wait3A_375 = arith.constant 0 : i32
      %dma_wait3A_376 = tpu.memref_slice %arg10[%dma_wait3A_368, %dma_wait3A_375] : memref<2x80xi32, #tpu.memory_space<vmem>> -> memref<1x80xi32, #tpu.memory_space<vmem>>
      %dma_wait3A_377 = tpu.memref_squeeze %dma_wait3A_376 : memref<1x80xi32, #tpu.memory_space<vmem>> -> memref<80xi32, #tpu.memory_space<vmem>>
      %dma_wait3A_378 = arith.constant 0 : i32
      %dma_wait3A_379 = tpu.memref_slice %arg2[%add3A, %dma_wait3A_367, %dma_wait3A_378] : memref<32x125x80xi32, #tpu.memory_space<hbm>> -> memref<1x1x80xi32, #tpu.memory_space<hbm>>
      %dma_wait3A_380 = tpu.memref_squeeze %dma_wait3A_379 : memref<1x1x80xi32, #tpu.memory_space<hbm>> -> memref<80xi32, #tpu.memory_space<hbm>>
      tpu.wait_dma2 semaphore(%arg16 : memref<!tpu.dma_semaphore, #tpu.memory_space<semaphore_mem>>) src(%dma_wait3A_380 : memref<80xi32, #tpu.memory_space<hbm>>) dst(%dma_wait3A_377 : memref<80xi32, #tpu.memory_space<vmem>>)
      %dma_start3A_381 = arith.constant 0 : i32
      %dma_start3A_382 = arith.constant 0 : i32
      %dma_start3A_383 = arith.constant 0 : i32
      %dma_start3A_384 = arith.constant 0 : i32
      %dma_start3A_385 = tpu.memref_slice %arg12[%dma_start3A_382, %dma_start3A_383, %dma_start3A_384] : memref<2x80x16xf32, #tpu.memory_space<vmem>> -> memref<1x80x16xf32, #tpu.memory_space<vmem>>
      %dma_start3A_386 = tpu.memref_squeeze %dma_start3A_385 : memref<1x80x16xf32, #tpu.memory_space<vmem>> -> memref<80x16xf32, #tpu.memory_space<vmem>>
      %dma_start3A_387 = arith.constant 0 : i32
      %dma_start3A_388 = tpu.memref_slice %arg10[%dma_start3A_381, %dma_start3A_387] : memref<2x80xi32, #tpu.memory_space<vmem>> -> memref<1x80xi32, #tpu.memory_space<vmem>>
      %dma_start3A_389 = tpu.memref_squeeze %dma_start3A_388 : memref<1x80xi32, #tpu.memory_space<vmem>> -> memref<80xi32, #tpu.memory_space<vmem>>
      %dma_start3A_390 = arith.constant 0 : i32
      %dma_start3A_391 = arith.constant 0 : i32
      %dma_start3A_392 = tpu.memref_slice %arg4[%dma_start3A_390, %dma_start3A_391] : memref<10000x16xf32, #tpu.memory_space<hbm>> -> memref<10000x16xf32, #tpu.memory_space<hbm>>
      tpu.enqueue_indirect_dma source(%dma_start3A_392 : memref<10000x16xf32, #tpu.memory_space<hbm>>) target(%dma_start3A_386 : memref<80x16xf32, #tpu.memory_space<vmem>>) offsets(%dma_start3A_389 : memref<80xi32, #tpu.memory_space<vmem>>) semaphore(%arg17 : memref<!tpu.dma_semaphore, #tpu.memory_space<semaphore_mem>>)
      %dma_start3A_393 = arith.constant 0 : i32
      %dma_start3A_394 = arith.constant 0 : i32
      %dma_start3A_395 = arith.constant 0 : i32
      %dma_start3A_396 = arith.constant 0 : i32
      %dma_start3A_397 = tpu.memref_slice %arg13[%dma_start3A_394, %dma_start3A_395, %dma_start3A_396] : memref<2x80x128xf32, #tpu.memory_space<vmem>> -> memref<1x80x128xf32, #tpu.memory_space<vmem>>
      %dma_start3A_398 = tpu.memref_squeeze %dma_start3A_397 : memref<1x80x128xf32, #tpu.memory_space<vmem>> -> memref<80x128xf32, #tpu.memory_space<vmem>>
      %dma_start3A_399 = arith.constant 0 : i32
      %dma_start3A_400 = tpu.memref_slice %arg10[%dma_start3A_393, %dma_start3A_399] : memref<2x80xi32, #tpu.memory_space<vmem>> -> memref<1x80xi32, #tpu.memory_space<vmem>>
      %dma_start3A_401 = tpu.memref_squeeze %dma_start3A_400 : memref<1x80xi32, #tpu.memory_space<vmem>> -> memref<80xi32, #tpu.memory_space<vmem>>
      %dma_start3A_402 = arith.constant 0 : i32
      %dma_start3A_403 = arith.constant 0 : i32
      %dma_start3A_404 = tpu.memref_slice %arg5[%dma_start3A_402, %dma_start3A_403] : memref<10000x128xf32, #tpu.memory_space<hbm>> -> memref<10000x128xf32, #tpu.memory_space<hbm>>
      tpu.enqueue_indirect_dma source(%dma_start3A_404 : memref<10000x128xf32, #tpu.memory_space<hbm>>) target(%dma_start3A_398 : memref<80x128xf32, #tpu.memory_space<vmem>>) offsets(%dma_start3A_401 : memref<80xi32, #tpu.memory_space<vmem>>) semaphore(%arg18 : memref<!tpu.dma_semaphore, #tpu.memory_space<semaphore_mem>>)
      %dma_wait3A_405 = arith.constant 1 : i32
      %dma_wait3A_406 = arith.constant 0 : i32
      %dma_wait3A_407 = arith.constant 0 : i32
      %dma_wait3A_408 = tpu.memref_slice %arg12[%dma_wait3A_405, %dma_wait3A_406, %dma_wait3A_407] : memref<2x80x16xf32, #tpu.memory_space<vmem>> -> memref<1x80x16xf32, #tpu.memory_space<vmem>>
      %dma_wait3A_409 = tpu.memref_squeeze %dma_wait3A_408 : memref<1x80x16xf32, #tpu.memory_space<vmem>> -> memref<80x16xf32, #tpu.memory_space<vmem>>
      %dma_wait3A_410 = arith.constant 0 : i32
      %dma_wait3A_411 = arith.constant 0 : i32
      %dma_wait3A_412 = tpu.memref_slice %arg14[%dma_wait3A_410, %dma_wait3A_411] : memref<10240x16xf32, #tpu.memory_space<vmem_shared>> -> memref<80x16xf32, #tpu.memory_space<vmem_shared>>
      %dma_wait3A_413 = arith.constant 0 : i32
      %dma_wait3A_414 = arith.constant 0 : i32
      %dma_wait3A_415 = tpu.memref_slice %arg14[%dma_wait3A_413, %dma_wait3A_414] : memref<10240x16xf32, #tpu.memory_space<vmem_shared>> -> memref<80x16xf32, #tpu.memory_space<vmem_shared>>
      %dma_wait3A_416 = arith.constant 0 : i32
      %dma_wait3A_417 = arith.constant 0 : i32
      %dma_wait3A_418 = tpu.memref_slice %arg12[%dma_wait3A_405, %dma_wait3A_416, %dma_wait3A_417] : memref<2x80x16xf32, #tpu.memory_space<vmem>> -> memref<1x80x16xf32, #tpu.memory_space<vmem>>
      %dma_wait3A_419 = tpu.memref_squeeze %dma_wait3A_418 : memref<1x80x16xf32, #tpu.memory_space<vmem>> -> memref<80x16xf32, #tpu.memory_space<vmem>>
      tpu.wait_dma2 semaphore(%arg19 : memref<!tpu.dma_semaphore, #tpu.memory_space<semaphore_mem>>) src(%dma_wait3A_419 : memref<80x16xf32, #tpu.memory_space<vmem>>) dst(%dma_wait3A_415 : memref<80x16xf32, #tpu.memory_space<vmem_shared>>)
      %dma_wait3A_420 = arith.constant 1 : i32
      %dma_wait3A_421 = arith.constant 0 : i32
      %dma_wait3A_422 = arith.constant 0 : i32
      %dma_wait3A_423 = tpu.memref_slice %arg13[%dma_wait3A_420, %dma_wait3A_421, %dma_wait3A_422] : memref<2x80x128xf32, #tpu.memory_space<vmem>> -> memref<1x80x128xf32, #tpu.memory_space<vmem>>
      %dma_wait3A_424 = tpu.memref_squeeze %dma_wait3A_423 : memref<1x80x128xf32, #tpu.memory_space<vmem>> -> memref<80x128xf32, #tpu.memory_space<vmem>>
      %dma_wait3A_425 = arith.constant 0 : i32
      %dma_wait3A_426 = arith.constant 0 : i32
      %dma_wait3A_427 = tpu.memref_slice %arg15[%dma_wait3A_425, %dma_wait3A_426] : memref<10240x128xf32, #tpu.memory_space<vmem_shared>> -> memref<80x128xf32, #tpu.memory_space<vmem_shared>>
      %dma_wait3A_428 = arith.constant 0 : i32
      %dma_wait3A_429 = arith.constant 0 : i32
      %dma_wait3A_430 = tpu.memref_slice %arg15[%dma_wait3A_428, %dma_wait3A_429] : memref<10240x128xf32, #tpu.memory_space<vmem_shared>> -> memref<80x128xf32, #tpu.memory_space<vmem_shared>>
      %dma_wait3A_431 = arith.constant 0 : i32
      %dma_wait3A_432 = arith.constant 0 : i32
      %dma_wait3A_433 = tpu.memref_slice %arg13[%dma_wait3A_420, %dma_wait3A_431, %dma_wait3A_432] : memref<2x80x128xf32, #tpu.memory_space<vmem>> -> memref<1x80x128xf32, #tpu.memory_space<vmem>>
      %dma_wait3A_434 = tpu.memref_squeeze %dma_wait3A_433 : memref<1x80x128xf32, #tpu.memory_space<vmem>> -> memref<80x128xf32, #tpu.memory_space<vmem>>
      tpu.wait_dma2 semaphore(%arg20 : memref<!tpu.dma_semaphore, #tpu.memory_space<semaphore_mem>>) src(%dma_wait3A_434 : memref<80x128xf32, #tpu.memory_space<vmem>>) dst(%dma_wait3A_430 : memref<80x128xf32, #tpu.memory_space<vmem_shared>>)
    }
    %scan3A_74 = arith.constant 62 : i32
    %dma_wait3A_75 = arith.constant 0 : i32
    %dma_wait3A_76 = arith.constant 0 : i32
    %dma_wait3A_77 = arith.constant 0 : i32
    %dma_wait3A_78 = arith.constant 0 : i32
    %dma_wait3A_79 = tpu.memref_slice %arg12[%dma_wait3A_76, %dma_wait3A_77, %dma_wait3A_78] : memref<2x80x16xf32, #tpu.memory_space<vmem>> -> memref<1x80x16xf32, #tpu.memory_space<vmem>>
    %dma_wait3A_80 = tpu.memref_squeeze %dma_wait3A_79 : memref<1x80x16xf32, #tpu.memory_space<vmem>> -> memref<80x16xf32, #tpu.memory_space<vmem>>
    %dma_wait3A_81 = arith.constant 0 : i32
    %dma_wait3A_82 = tpu.memref_slice %arg10[%dma_wait3A_75, %dma_wait3A_81] : memref<2x80xi32, #tpu.memory_space<vmem>> -> memref<1x80xi32, #tpu.memory_space<vmem>>
    %dma_wait3A_83 = tpu.memref_squeeze %dma_wait3A_82 : memref<1x80xi32, #tpu.memory_space<vmem>> -> memref<80xi32, #tpu.memory_space<vmem>>
    %dma_wait3A_84 = arith.constant 0 : i32
    %dma_wait3A_85 = arith.constant 0 : i32
    %dma_wait3A_86 = tpu.memref_slice %arg4[%dma_wait3A_84, %dma_wait3A_85] : memref<10000x16xf32, #tpu.memory_space<hbm>> -> memref<10000x16xf32, #tpu.memory_space<hbm>>
    tpu.wait_indirect_dma semaphore(%arg17 : memref<!tpu.dma_semaphore, #tpu.memory_space<semaphore_mem>>) src(%dma_wait3A_86 : memref<10000x16xf32, #tpu.memory_space<hbm>>) dst(%dma_wait3A_80 : memref<80x16xf32, #tpu.memory_space<vmem>>)
    %dma_wait3A_87 = arith.constant 0 : i32
    %dma_wait3A_88 = arith.constant 0 : i32
    %dma_wait3A_89 = arith.constant 0 : i32
    %dma_wait3A_90 = arith.constant 0 : i32
    %dma_wait3A_91 = tpu.memref_slice %arg13[%dma_wait3A_88, %dma_wait3A_89, %dma_wait3A_90] : memref<2x80x128xf32, #tpu.memory_space<vmem>> -> memref<1x80x128xf32, #tpu.memory_space<vmem>>
    %dma_wait3A_92 = tpu.memref_squeeze %dma_wait3A_91 : memref<1x80x128xf32, #tpu.memory_space<vmem>> -> memref<80x128xf32, #tpu.memory_space<vmem>>
    %dma_wait3A_93 = arith.constant 0 : i32
    %dma_wait3A_94 = tpu.memref_slice %arg10[%dma_wait3A_87, %dma_wait3A_93] : memref<2x80xi32, #tpu.memory_space<vmem>> -> memref<1x80xi32, #tpu.memory_space<vmem>>
    %dma_wait3A_95 = tpu.memref_squeeze %dma_wait3A_94 : memref<1x80xi32, #tpu.memory_space<vmem>> -> memref<80xi32, #tpu.memory_space<vmem>>
    %dma_wait3A_96 = arith.constant 0 : i32
    %dma_wait3A_97 = arith.constant 0 : i32
    %dma_wait3A_98 = tpu.memref_slice %arg5[%dma_wait3A_96, %dma_wait3A_97] : memref<10000x128xf32, #tpu.memory_space<hbm>> -> memref<10000x128xf32, #tpu.memory_space<hbm>>
    tpu.wait_indirect_dma semaphore(%arg18 : memref<!tpu.dma_semaphore, #tpu.memory_space<semaphore_mem>>) src(%dma_wait3A_98 : memref<10000x128xf32, #tpu.memory_space<hbm>>) dst(%dma_wait3A_92 : memref<80x128xf32, #tpu.memory_space<vmem>>)
    %dma_start3A_99 = arith.constant 0 : i32
    %dma_start3A_100 = arith.constant 124 : i32
    %dma_start3A_101 = arith.constant 0 : i32
    %dma_start3A_102 = arith.constant 0 : i32
    %dma_start3A_103 = tpu.memref_slice %arg12[%dma_start3A_99, %dma_start3A_101, %dma_start3A_102] : memref<2x80x16xf32, #tpu.memory_space<vmem>> -> memref<1x80x16xf32, #tpu.memory_space<vmem>>
    %dma_start3A_104 = tpu.memref_squeeze %dma_start3A_103 : memref<1x80x16xf32, #tpu.memory_space<vmem>> -> memref<80x16xf32, #tpu.memory_space<vmem>>
    %dma_start3A_105 = arith.constant 0 : i32
    %dma_start3A_106 = tpu.memref_slice %arg11[%dma_start3A_100, %dma_start3A_105] : memref<125x80xi32, #tpu.memory_space<vmem>> -> memref<1x80xi32, #tpu.memory_space<vmem>>
    %dma_start3A_107 = tpu.memref_squeeze %dma_start3A_106 : memref<1x80xi32, #tpu.memory_space<vmem>> -> memref<80xi32, #tpu.memory_space<vmem>>
    %dma_start3A_108 = arith.constant 0 : i32
    %dma_start3A_109 = arith.constant 0 : i32
    %dma_start3A_110 = tpu.memref_slice %arg14[%dma_start3A_108, %dma_start3A_109] : memref<10240x16xf32, #tpu.memory_space<vmem_shared>> -> memref<10240x16xf32, #tpu.memory_space<vmem_shared>>
    tpu.enqueue_indirect_dma source(%dma_start3A_104 : memref<80x16xf32, #tpu.memory_space<vmem>>) target(%dma_start3A_110 : memref<10240x16xf32, #tpu.memory_space<vmem_shared>>) offsets(%dma_start3A_107 : memref<80xi32, #tpu.memory_space<vmem>>) semaphore(%arg19 : memref<!tpu.dma_semaphore, #tpu.memory_space<semaphore_mem>>) {add = true}
    %dma_start3A_111 = arith.constant 0 : i32
    %dma_start3A_112 = arith.constant 124 : i32
    %dma_start3A_113 = arith.constant 0 : i32
    %dma_start3A_114 = arith.constant 0 : i32
    %dma_start3A_115 = tpu.memref_slice %arg13[%dma_start3A_111, %dma_start3A_113, %dma_start3A_114] : memref<2x80x128xf32, #tpu.memory_space<vmem>> -> memref<1x80x128xf32, #tpu.memory_space<vmem>>
    %dma_start3A_116 = tpu.memref_squeeze %dma_start3A_115 : memref<1x80x128xf32, #tpu.memory_space<vmem>> -> memref<80x128xf32, #tpu.memory_space<vmem>>
    %dma_start3A_117 = arith.constant 0 : i32
    %dma_start3A_118 = tpu.memref_slice %arg11[%dma_start3A_112, %dma_start3A_117] : memref<125x80xi32, #tpu.memory_space<vmem>> -> memref<1x80xi32, #tpu.memory_space<vmem>>
    %dma_start3A_119 = tpu.memref_squeeze %dma_start3A_118 : memref<1x80xi32, #tpu.memory_space<vmem>> -> memref<80xi32, #tpu.memory_space<vmem>>
    %dma_start3A_120 = arith.constant 0 : i32
    %dma_start3A_121 = arith.constant 0 : i32
    %dma_start3A_122 = tpu.memref_slice %arg15[%dma_start3A_120, %dma_start3A_121] : memref<10240x128xf32, #tpu.memory_space<vmem_shared>> -> memref<10240x128xf32, #tpu.memory_space<vmem_shared>>
    tpu.enqueue_indirect_dma source(%dma_start3A_116 : memref<80x128xf32, #tpu.memory_space<vmem>>) target(%dma_start3A_122 : memref<10240x128xf32, #tpu.memory_space<vmem_shared>>) offsets(%dma_start3A_119 : memref<80xi32, #tpu.memory_space<vmem>>) semaphore(%arg20 : memref<!tpu.dma_semaphore, #tpu.memory_space<semaphore_mem>>) {add = true}
    %dma_wait3A_123 = arith.constant 0 : i32
    %dma_wait3A_124 = arith.constant 0 : i32
    %dma_wait3A_125 = arith.constant 0 : i32
    %dma_wait3A_126 = tpu.memref_slice %arg12[%dma_wait3A_123, %dma_wait3A_124, %dma_wait3A_125] : memref<2x80x16xf32, #tpu.memory_space<vmem>> -> memref<1x80x16xf32, #tpu.memory_space<vmem>>
    %dma_wait3A_127 = tpu.memref_squeeze %dma_wait3A_126 : memref<1x80x16xf32, #tpu.memory_space<vmem>> -> memref<80x16xf32, #tpu.memory_space<vmem>>
    %dma_wait3A_128 = arith.constant 0 : i32
    %dma_wait3A_129 = arith.constant 0 : i32
    %dma_wait3A_130 = tpu.memref_slice %arg14[%dma_wait3A_128, %dma_wait3A_129] : memref<10240x16xf32, #tpu.memory_space<vmem_shared>> -> memref<80x16xf32, #tpu.memory_space<vmem_shared>>
    %dma_wait3A_131 = arith.constant 0 : i32
    %dma_wait3A_132 = arith.constant 0 : i32
    %dma_wait3A_133 = tpu.memref_slice %arg14[%dma_wait3A_131, %dma_wait3A_132] : memref<10240x16xf32, #tpu.memory_space<vmem_shared>> -> memref<80x16xf32, #tpu.memory_space<vmem_shared>>
    %dma_wait3A_134 = arith.constant 0 : i32
    %dma_wait3A_135 = arith.constant 0 : i32
    %dma_wait3A_136 = tpu.memref_slice %arg12[%dma_wait3A_123, %dma_wait3A_134, %dma_wait3A_135] : memref<2x80x16xf32, #tpu.memory_space<vmem>> -> memref<1x80x16xf32, #tpu.memory_space<vmem>>
    %dma_wait3A_137 = tpu.memref_squeeze %dma_wait3A_136 : memref<1x80x16xf32, #tpu.memory_space<vmem>> -> memref<80x16xf32, #tpu.memory_space<vmem>>
    tpu.wait_dma2 semaphore(%arg19 : memref<!tpu.dma_semaphore, #tpu.memory_space<semaphore_mem>>) src(%dma_wait3A_137 : memref<80x16xf32, #tpu.memory_space<vmem>>) dst(%dma_wait3A_133 : memref<80x16xf32, #tpu.memory_space<vmem_shared>>)
    %dma_wait3A_138 = arith.constant 0 : i32
    %dma_wait3A_139 = arith.constant 0 : i32
    %dma_wait3A_140 = arith.constant 0 : i32
    %dma_wait3A_141 = tpu.memref_slice %arg13[%dma_wait3A_138, %dma_wait3A_139, %dma_wait3A_140] : memref<2x80x128xf32, #tpu.memory_space<vmem>> -> memref<1x80x128xf32, #tpu.memory_space<vmem>>
    %dma_wait3A_142 = tpu.memref_squeeze %dma_wait3A_141 : memref<1x80x128xf32, #tpu.memory_space<vmem>> -> memref<80x128xf32, #tpu.memory_space<vmem>>
    %dma_wait3A_143 = arith.constant 0 : i32
    %dma_wait3A_144 = arith.constant 0 : i32
    %dma_wait3A_145 = tpu.memref_slice %arg15[%dma_wait3A_143, %dma_wait3A_144] : memref<10240x128xf32, #tpu.memory_space<vmem_shared>> -> memref<80x128xf32, #tpu.memory_space<vmem_shared>>
    %dma_wait3A_146 = arith.constant 0 : i32
    %dma_wait3A_147 = arith.constant 0 : i32
    %dma_wait3A_148 = tpu.memref_slice %arg15[%dma_wait3A_146, %dma_wait3A_147] : memref<10240x128xf32, #tpu.memory_space<vmem_shared>> -> memref<80x128xf32, #tpu.memory_space<vmem_shared>>
    %dma_wait3A_149 = arith.constant 0 : i32
    %dma_wait3A_150 = arith.constant 0 : i32
    %dma_wait3A_151 = tpu.memref_slice %arg13[%dma_wait3A_138, %dma_wait3A_149, %dma_wait3A_150] : memref<2x80x128xf32, #tpu.memory_space<vmem>> -> memref<1x80x128xf32, #tpu.memory_space<vmem>>
    %dma_wait3A_152 = tpu.memref_squeeze %dma_wait3A_151 : memref<1x80x128xf32, #tpu.memory_space<vmem>> -> memref<80x128xf32, #tpu.memory_space<vmem>>
    tpu.wait_dma2 semaphore(%arg20 : memref<!tpu.dma_semaphore, #tpu.memory_space<semaphore_mem>>) src(%dma_wait3A_152 : memref<80x128xf32, #tpu.memory_space<vmem>>) dst(%dma_wait3A_148 : memref<80x128xf32, #tpu.memory_space<vmem_shared>>)
    %dma_wait3A_153 = arith.constant 0 : i32
    %dma_wait3A_154 = arith.constant 1 : i32
    %dma_wait3A_155 = arith.constant 0 : i32
    %dma_wait3A_156 = tpu.memref_slice %arg10[%dma_wait3A_154, %dma_wait3A_155] : memref<2x80xi32, #tpu.memory_space<vmem>> -> memref<1x80xi32, #tpu.memory_space<vmem>>
    %dma_wait3A_157 = tpu.memref_squeeze %dma_wait3A_156 : memref<1x80xi32, #tpu.memory_space<vmem>> -> memref<80xi32, #tpu.memory_space<vmem>>
    %dma_wait3A_158 = arith.constant 0 : i32
    %dma_wait3A_159 = tpu.memref_slice %arg2[%add3A, %dma_wait3A_153, %dma_wait3A_158] : memref<32x125x80xi32, #tpu.memory_space<hbm>> -> memref<1x1x80xi32, #tpu.memory_space<hbm>>
    %dma_wait3A_160 = tpu.memref_squeeze %dma_wait3A_159 : memref<1x1x80xi32, #tpu.memory_space<hbm>> -> memref<80xi32, #tpu.memory_space<hbm>>
    %dma_wait3A_161 = arith.constant 0 : i32
    %dma_wait3A_162 = tpu.memref_slice %arg10[%dma_wait3A_154, %dma_wait3A_161] : memref<2x80xi32, #tpu.memory_space<vmem>> -> memref<1x80xi32, #tpu.memory_space<vmem>>
    %dma_wait3A_163 = tpu.memref_squeeze %dma_wait3A_162 : memref<1x80xi32, #tpu.memory_space<vmem>> -> memref<80xi32, #tpu.memory_space<vmem>>
    %dma_wait3A_164 = arith.constant 0 : i32
    %dma_wait3A_165 = tpu.memref_slice %arg2[%add3A, %dma_wait3A_153, %dma_wait3A_164] : memref<32x125x80xi32, #tpu.memory_space<hbm>> -> memref<1x1x80xi32, #tpu.memory_space<hbm>>
    %dma_wait3A_166 = tpu.memref_squeeze %dma_wait3A_165 : memref<1x1x80xi32, #tpu.memory_space<hbm>> -> memref<80xi32, #tpu.memory_space<hbm>>
    tpu.wait_dma2 semaphore(%arg16 : memref<!tpu.dma_semaphore, #tpu.memory_space<semaphore_mem>>) src(%dma_wait3A_166 : memref<80xi32, #tpu.memory_space<hbm>>) dst(%dma_wait3A_163 : memref<80xi32, #tpu.memory_space<vmem>>)
    %barrier3A_167 = arith.constant 0 : index
    tpu.barrier barrier_id(%barrier3A_167)
    "tpu.region"() ({
      %run_scoped3A = tpu.sem_alloc : memref<!tpu.dma_semaphore, #tpu.memory_space<semaphore_mem>>
      %dma_start3A_168 = arith.constant 0 : i32
      %dma_start3A_169 = tpu.memref_slice %arg8[%arg0, %mul3A_2, %dma_start3A_168] : memref<2x10240x16xf32, #tpu.memory_space<hbm>> -> memref<1x640x16xf32, #tpu.memory_space<hbm>>
      %dma_start3A_170 = tpu.memref_squeeze %dma_start3A_169 : memref<1x640x16xf32, #tpu.memory_space<hbm>> -> memref<640x16xf32, #tpu.memory_space<hbm>>
      %dma_start3A_171 = arith.constant 0 : i32
      %dma_start3A_172 = tpu.memref_slice %arg14[%mul3A_2, %dma_start3A_171] : memref<10240x16xf32, #tpu.memory_space<vmem_shared>> -> memref<640x16xf32, #tpu.memory_space<vmem_shared>>
      tpu.enqueue_dma source(%dma_start3A_172 : memref<640x16xf32, #tpu.memory_space<vmem_shared>>) target(%dma_start3A_170 : memref<640x16xf32, #tpu.memory_space<hbm>>) target_semaphore(%run_scoped3A : memref<!tpu.dma_semaphore, #tpu.memory_space<semaphore_mem>>)
      %dma_wait3A_173 = arith.constant 0 : i32
      %dma_wait3A_174 = tpu.memref_slice %arg8[%arg0, %mul3A_2, %dma_wait3A_173] : memref<2x10240x16xf32, #tpu.memory_space<hbm>> -> memref<1x640x16xf32, #tpu.memory_space<hbm>>
      %dma_wait3A_175 = tpu.memref_squeeze %dma_wait3A_174 : memref<1x640x16xf32, #tpu.memory_space<hbm>> -> memref<640x16xf32, #tpu.memory_space<hbm>>
      %dma_wait3A_176 = arith.constant 0 : i32
      %dma_wait3A_177 = tpu.memref_slice %arg14[%mul3A_2, %dma_wait3A_176] : memref<10240x16xf32, #tpu.memory_space<vmem_shared>> -> memref<640x16xf32, #tpu.memory_space<vmem_shared>>
      tpu.wait_dma2 semaphore(%run_scoped3A : memref<!tpu.dma_semaphore, #tpu.memory_space<semaphore_mem>>) src(%dma_wait3A_177 : memref<640x16xf32, #tpu.memory_space<vmem_shared>>) dst(%dma_wait3A_175 : memref<640x16xf32, #tpu.memory_space<hbm>>)
      tpu.yield
    }) : () -> ()
    "tpu.region"() ({
      %run_scoped3A = tpu.sem_alloc : memref<!tpu.dma_semaphore, #tpu.memory_space<semaphore_mem>>
      %dma_start3A_168 = arith.constant 0 : i32
      %dma_start3A_169 = tpu.memref_slice %arg9[%arg0, %mul3A_2, %dma_start3A_168] : memref<2x10240x128xf32, #tpu.memory_space<hbm>> -> memref<1x640x128xf32, #tpu.memory_space<hbm>>
      %dma_start3A_170 = tpu.memref_squeeze %dma_start3A_169 : memref<1x640x128xf32, #tpu.memory_space<hbm>> -> memref<640x128xf32, #tpu.memory_space<hbm>>
      %dma_start3A_171 = arith.constant 0 : i32
      %dma_start3A_172 = tpu.memref_slice %arg15[%mul3A_2, %dma_start3A_171] : memref<10240x128xf32, #tpu.memory_space<vmem_shared>> -> memref<640x128xf32, #tpu.memory_space<vmem_shared>>
      tpu.enqueue_dma source(%dma_start3A_172 : memref<640x128xf32, #tpu.memory_space<vmem_shared>>) target(%dma_start3A_170 : memref<640x128xf32, #tpu.memory_space<hbm>>) target_semaphore(%run_scoped3A : memref<!tpu.dma_semaphore, #tpu.memory_space<semaphore_mem>>)
      %dma_wait3A_173 = arith.constant 0 : i32
      %dma_wait3A_174 = tpu.memref_slice %arg9[%arg0, %mul3A_2, %dma_wait3A_173] : memref<2x10240x128xf32, #tpu.memory_space<hbm>> -> memref<1x640x128xf32, #tpu.memory_space<hbm>>
      %dma_wait3A_175 = tpu.memref_squeeze %dma_wait3A_174 : memref<1x640x128xf32, #tpu.memory_space<hbm>> -> memref<640x128xf32, #tpu.memory_space<hbm>>
      %dma_wait3A_176 = arith.constant 0 : i32
      %dma_wait3A_177 = tpu.memref_slice %arg15[%mul3A_2, %dma_wait3A_176] : memref<10240x128xf32, #tpu.memory_space<vmem_shared>> -> memref<640x128xf32, #tpu.memory_space<vmem_shared>>
      tpu.wait_dma2 semaphore(%run_scoped3A : memref<!tpu.dma_semaphore, #tpu.memory_space<semaphore_mem>>) src(%dma_wait3A_177 : memref<640x128xf32, #tpu.memory_space<vmem_shared>>) dst(%dma_wait3A_175 : memref<640x128xf32, #tpu.memory_space<hbm>>)
      tpu.yield
    }) : () -> ()
    return
  }
}

module attributes {stable_mosaic.version = 14 : i64} {
  func.func @_onehot_body(%arg0: memref<10000x16xf32, #tpu.memory_space<vmem>>, %arg1: memref<10000x16xf32, #tpu.memory_space<vmem>>, %arg2: memref<10240x16xf32, #tpu.memory_space<vmem>>, %arg3: memref<10240x128xf32, #tpu.memory_space<vmem>>) attributes {dimension_semantics = [], scalar_prefetch = 0 : i64, scratch_operands = 0 : i64, tpu.core_type = #tpu.core_type<tc>} {
    %get3A = arith.constant 0 : index
    %get3A_0 = arith.constant 0 : index
    %get3A_1 = vector.load %arg0[%get3A, %get3A_0] : memref<10000x16xf32, #tpu.memory_space<vmem>>, vector<10000x16xf32>
    %reduce_max3A = arith.constant dense<0xFF800000> : vector<10000xf32>
    %reduce_max3A_2 = vector.multi_reduction <maximumf>, %get3A_1, %reduce_max3A [1] : vector<10000x16xf32> to vector<10000xf32>
    %broadcast_in_dim3A = vector.shape_cast %reduce_max3A_2 : vector<10000xf32> to vector<10000x1xf32>
    %iota3A = tpu.iota {dimensions = array<i32: 1>} : vector<10000x16xi32>
    %eq3A = vector.broadcast %broadcast_in_dim3A : vector<10000x1xf32> to vector<10000x16xf32>
    %eq3A_3 = arith.cmpf oeq, %get3A_1, %eq3A : vector<10000x16xf32>
    %jit3A = arith.constant 16 : i32
    %broadcast_in_dim3A_4 = vector.broadcast %jit3A : i32 to vector<10000x16xi32>
    %select_n3A = arith.select %eq3A_3, %iota3A, %broadcast_in_dim3A_4 : vector<10000x16xi1>, vector<10000x16xi32>
    %reduce_min3A = arith.constant dense<2147483647> : vector<10000xi32>
    %reduce_min3A_5 = vector.multi_reduction <minsi>, %select_n3A, %reduce_min3A [1] : vector<10000x16xi32> to vector<10000xi32>
    %broadcast_in_dim3A_6 = vector.shape_cast %reduce_min3A_5 : vector<10000xi32> to vector<10000x1xi32>
    %eq3A_7 = vector.broadcast %broadcast_in_dim3A_6 : vector<10000x1xi32> to vector<10000x16xi32>
    %eq3A_8 = arith.cmpi eq, %iota3A, %eq3A_7 : vector<10000x16xi32>
    %convert_element_type3A = arith.extui %eq3A_8 : vector<10000x16xi1> to vector<10000x16xi32>
    %convert_element_type3A_9 = arith.sitofp %convert_element_type3A : vector<10000x16xi32> to vector<10000x16xf32>
    %swap3A = arith.constant 0 : index
    %swap3A_10 = arith.constant 0 : index
    %swap3A_11 = vector.load %arg1[%swap3A, %swap3A_10] : memref<10000x16xf32, #tpu.memory_space<vmem>>, vector<10000x16xf32>
    tpu.vector_store %arg1[%swap3A, %swap3A_10], %convert_element_type3A_9 {strides = array<i32>} : memref<10000x16xf32, #tpu.memory_space<vmem>>, vector<10000x16xf32>,
    %broadcast_in_dim3A_12 = arith.constant 0.000000e+00 : f32
    %broadcast_in_dim3A_13 = vector.broadcast %broadcast_in_dim3A_12 : f32 to vector<10240x16xf32>
    %swap3A_14 = arith.constant 0 : index
    %swap3A_15 = arith.constant 0 : index
    %swap3A_16 = vector.load %arg2[%swap3A_14, %swap3A_15] : memref<10240x16xf32, #tpu.memory_space<vmem>>, vector<10240x16xf32>
    tpu.vector_store %arg2[%swap3A_14, %swap3A_15], %broadcast_in_dim3A_13 {strides = array<i32>} : memref<10240x16xf32, #tpu.memory_space<vmem>>, vector<10240x16xf32>,
    %broadcast_in_dim3A_17 = arith.constant 0.000000e+00 : f32
    %broadcast_in_dim3A_18 = vector.broadcast %broadcast_in_dim3A_17 : f32 to vector<10240x128xf32>
    %swap3A_19 = arith.constant 0 : index
    %swap3A_20 = arith.constant 0 : index
    %swap3A_21 = vector.load %arg3[%swap3A_19, %swap3A_20] : memref<10240x128xf32, #tpu.memory_space<vmem>>, vector<10240x128xf32>
    tpu.vector_store %arg3[%swap3A_19, %swap3A_20], %broadcast_in_dim3A_18 {strides = array<i32>} : memref<10240x128xf32, #tpu.memory_space<vmem>>, vector<10240x128xf32>,
    return
  }
}

module attributes {stable_mosaic.version = 14 : i64} {
  func.func @_gate_body(%arg0: memref<2x10240x16xf32, #tpu.memory_space<vmem>>, %arg1: memref<10000x16xf32, #tpu.memory_space<vmem>>, %arg2: memref<10000x1xf32, #tpu.memory_space<vmem>>, %arg3: memref<1x1xf32, #tpu.memory_space<vmem>>, %arg4: memref<1x1xf32, #tpu.memory_space<vmem>>, %arg5: memref<10000x1xf32, #tpu.memory_space<vmem>>, %arg6: memref<10000x1xf32, #tpu.memory_space<vmem>>) attributes {dimension_semantics = [], scalar_prefetch = 0 : i64, scratch_operands = 0 : i64, tpu.core_type = #tpu.core_type<tc>} {
    %get3A = arith.constant 0 : index
    %get3A_0 = arith.constant 0 : index
    %get3A_1 = arith.constant 0 : index
    %get3A_2 = vector.load %arg0[%get3A, %get3A_0, %get3A_1] : memref<2x10240x16xf32, #tpu.memory_space<vmem>>, vector<1x10000x16xf32>
    %get3A_3 = vector.shape_cast %get3A_2 : vector<1x10000x16xf32> to vector<10000x16xf32>
    %get3A_4 = arith.constant 1 : index
    %get3A_5 = arith.constant 0 : index
    %get3A_6 = arith.constant 0 : index
    %get3A_7 = vector.load %arg0[%get3A_4, %get3A_5, %get3A_6] : memref<2x10240x16xf32, #tpu.memory_space<vmem>>, vector<1x10000x16xf32>
    %get3A_8 = vector.shape_cast %get3A_7 : vector<1x10000x16xf32> to vector<10000x16xf32>
    %add3A = arith.addf %get3A_3, %get3A_8 : vector<10000x16xf32>
    %get3A_9 = arith.constant 0 : index
    %get3A_10 = arith.constant 0 : index
    %get3A_11 = vector.load %arg1[%get3A_9, %get3A_10] : memref<10000x16xf32, #tpu.memory_space<vmem>>, vector<10000x16xf32>
    %mul3A = arith.mulf %add3A, %get3A_11 : vector<10000x16xf32>
    %reduce_sum3A = arith.constant dense<0.000000e+00> : vector<10000xf32>
    %reduce_sum3A_12 = vector.multi_reduction <add>, %mul3A, %reduce_sum3A [1] : vector<10000x16xf32> to vector<10000xf32>
    %broadcast_in_dim3A = vector.shape_cast %reduce_sum3A_12 : vector<10000xf32> to vector<10000x1xf32>
    %max3A = arith.constant 9.99999974E-6 : f32
    %max3A_13 = vector.broadcast %max3A : f32 to vector<10000x16xf32>
    %max3A_14 = arith.maximumf %add3A, %max3A_13 : vector<10000x16xf32>
    %log3A = math.log %max3A_14 : vector<10000x16xf32>
    %mul3A_15 = arith.mulf %max3A_14, %log3A : vector<10000x16xf32>
    %reduce_sum3A_16 = arith.constant dense<0.000000e+00> : vector<10000xf32>
    %reduce_sum3A_17 = vector.multi_reduction <add>, %mul3A_15, %reduce_sum3A_16 [1] : vector<10000x16xf32> to vector<10000xf32>
    %broadcast_in_dim3A_18 = vector.shape_cast %reduce_sum3A_17 : vector<10000xf32> to vector<10000x1xf32>
    %neg3A = arith.constant 0.000000e+00 : f32
    %neg3A_19 = vector.broadcast %neg3A : f32 to vector<10000x1xf32>
    %neg3A_20 = arith.subf %neg3A_19, %broadcast_in_dim3A_18 : vector<10000x1xf32>
    %reduce_sum3A_21 = vector.shape_cast %broadcast_in_dim3A : vector<10000x1xf32> to vector<1x10000x1xf32>
    %reduce_sum3A_22 = arith.constant dense<0.000000e+00> : vector<1xf32>
    %reduce_sum3A_23 = vector.multi_reduction <add>, %reduce_sum3A_21, %reduce_sum3A_22 [1, 2] : vector<1x10000x1xf32> to vector<1xf32>
    %reduce_sum3A_24 = vector.shape_cast %reduce_sum3A_23 : vector<1xf32> to vector<1x1x1xf32>
    %reduce_sum3A_25 = vector.extract %reduce_sum3A_24[0, 0, 0] : f32 from vector<1x1x1xf32>
    %div3A = arith.constant 1.000000e+04 : f32
    %div3A_26 = arith.divf %reduce_sum3A_25, %div3A : f32
    %sub3A = vector.broadcast %div3A_26 : f32 to vector<10000x1xf32>
    %sub3A_27 = arith.subf %broadcast_in_dim3A, %sub3A : vector<10000x1xf32>
    %integer_pow3A = arith.mulf %sub3A_27, %sub3A_27 : vector<10000x1xf32>
    %reduce_sum3A_28 = vector.shape_cast %integer_pow3A : vector<10000x1xf32> to vector<1x10000x1xf32>
    %reduce_sum3A_29 = arith.constant dense<0.000000e+00> : vector<1xf32>
    %reduce_sum3A_30 = vector.multi_reduction <add>, %reduce_sum3A_28, %reduce_sum3A_29 [1, 2] : vector<1x10000x1xf32> to vector<1xf32>
    %reduce_sum3A_31 = vector.shape_cast %reduce_sum3A_30 : vector<1xf32> to vector<1x1x1xf32>
    %reduce_sum3A_32 = vector.extract %reduce_sum3A_31[0, 0, 0] : f32 from vector<1x1x1xf32>
    %div3A_33 = arith.constant 1.000000e+04 : f32
    %div3A_34 = arith.divf %reduce_sum3A_32, %div3A_33 : f32
    %sub3A_35 = vector.broadcast %div3A_26 : f32 to vector<10000x1xf32>
    %sub3A_36 = arith.subf %broadcast_in_dim3A, %sub3A_35 : vector<10000x1xf32>
    %add3A_37 = arith.constant 9.99999974E-6 : f32
    %add3A_38 = arith.addf %div3A_34, %add3A_37 : f32
    %sqrt3A = math.sqrt %add3A_38 : f32
    %div3A_39 = vector.broadcast %sqrt3A : f32 to vector<10000x1xf32>
    %div3A_40 = arith.divf %sub3A_36, %div3A_39 : vector<10000x1xf32>
    %reduce_sum3A_41 = vector.shape_cast %neg3A_20 : vector<10000x1xf32> to vector<1x10000x1xf32>
    %reduce_sum3A_42 = arith.constant dense<0.000000e+00> : vector<1xf32>
    %reduce_sum3A_43 = vector.multi_reduction <add>, %reduce_sum3A_41, %reduce_sum3A_42 [1, 2] : vector<1x10000x1xf32> to vector<1xf32>
    %reduce_sum3A_44 = vector.shape_cast %reduce_sum3A_43 : vector<1xf32> to vector<1x1x1xf32>
    %reduce_sum3A_45 = vector.extract %reduce_sum3A_44[0, 0, 0] : f32 from vector<1x1x1xf32>
    %div3A_46 = arith.constant 1.000000e+04 : f32
    %div3A_47 = arith.divf %reduce_sum3A_45, %div3A_46 : f32
    %sub3A_48 = vector.broadcast %div3A_47 : f32 to vector<10000x1xf32>
    %sub3A_49 = arith.subf %neg3A_20, %sub3A_48 : vector<10000x1xf32>
    %integer_pow3A_50 = arith.mulf %sub3A_49, %sub3A_49 : vector<10000x1xf32>
    %reduce_sum3A_51 = vector.shape_cast %integer_pow3A_50 : vector<10000x1xf32> to vector<1x10000x1xf32>
    %reduce_sum3A_52 = arith.constant dense<0.000000e+00> : vector<1xf32>
    %reduce_sum3A_53 = vector.multi_reduction <add>, %reduce_sum3A_51, %reduce_sum3A_52 [1, 2] : vector<1x10000x1xf32> to vector<1xf32>
    %reduce_sum3A_54 = vector.shape_cast %reduce_sum3A_53 : vector<1xf32> to vector<1x1x1xf32>
    %reduce_sum3A_55 = vector.extract %reduce_sum3A_54[0, 0, 0] : f32 from vector<1x1x1xf32>
    %div3A_56 = arith.constant 1.000000e+04 : f32
    %div3A_57 = arith.divf %reduce_sum3A_55, %div3A_56 : f32
    %sub3A_58 = vector.broadcast %div3A_47 : f32 to vector<10000x1xf32>
    %sub3A_59 = arith.subf %neg3A_20, %sub3A_58 : vector<10000x1xf32>
    %add3A_60 = arith.constant 9.99999974E-6 : f32
    %add3A_61 = arith.addf %div3A_57, %add3A_60 : f32
    %sqrt3A_62 = math.sqrt %add3A_61 : f32
    %div3A_63 = vector.broadcast %sqrt3A_62 : f32 to vector<10000x1xf32>
    %div3A_64 = arith.divf %sub3A_59, %div3A_63 : vector<10000x1xf32>
    %get3A_65 = arith.constant 0 : index
    %get3A_66 = arith.constant 0 : index
    %get3A_67 = vector.load %arg3[%get3A_65, %get3A_66] : memref<1x1xf32, #tpu.memory_space<vmem>>, vector<1x1xf32>
    %get3A_68 = vector.extract %get3A_67[0, 0] : f32 from vector<1x1xf32>
    %get3A_69 = arith.constant 0 : index
    %get3A_70 = arith.constant 0 : index
    %get3A_71 = vector.load %arg4[%get3A_69, %get3A_70] : memref<1x1xf32, #tpu.memory_space<vmem>>, vector<1x1xf32>
    %get3A_72 = vector.extract %get3A_71[0, 0] : f32 from vector<1x1xf32>
    %sub3A_73 = vector.broadcast %get3A_68 : f32 to vector<10000x1xf32>
    %sub3A_74 = arith.subf %sub3A_73, %div3A_40 : vector<10000x1xf32>
    %logistic3A = arith.negf %sub3A_74 : vector<10000x1xf32>
    %logistic3A_75 = math.exp %logistic3A : vector<10000x1xf32>
    %logistic3A_76 = arith.constant 1.000000e+00 : f32
    %logistic3A_77 = vector.broadcast %logistic3A_76 : f32 to vector<10000x1xf32>
    %logistic3A_78 = arith.addf %logistic3A_77, %logistic3A_75 : vector<10000x1xf32>
    %logistic3A_79 = arith.divf %logistic3A_77, %logistic3A_78 : vector<10000x1xf32>
    %sub3A_80 = vector.broadcast %get3A_72 : f32 to vector<10000x1xf32>
    %sub3A_81 = arith.subf %sub3A_80, %div3A_64 : vector<10000x1xf32>
    %logistic3A_82 = arith.negf %sub3A_81 : vector<10000x1xf32>
    %logistic3A_83 = math.exp %logistic3A_82 : vector<10000x1xf32>
    %logistic3A_84 = arith.constant 1.000000e+00 : f32
    %logistic3A_85 = vector.broadcast %logistic3A_84 : f32 to vector<10000x1xf32>
    %logistic3A_86 = arith.addf %logistic3A_85, %logistic3A_83 : vector<10000x1xf32>
    %logistic3A_87 = arith.divf %logistic3A_85, %logistic3A_86 : vector<10000x1xf32>
    %mul3A_88 = arith.mulf %logistic3A_79, %logistic3A_87 : vector<10000x1xf32>
    %swap3A = arith.constant 0 : index
    %swap3A_89 = arith.constant 0 : index
    %swap3A_90 = vector.load %arg5[%swap3A, %swap3A_89] : memref<10000x1xf32, #tpu.memory_space<vmem>>, vector<10000x1xf32>
    tpu.vector_store %arg5[%swap3A, %swap3A_89], %mul3A_88 {strides = array<i32>} : memref<10000x1xf32, #tpu.memory_space<vmem>>, vector<10000x1xf32>,
    %get3A_91 = arith.constant 0 : index
    %get3A_92 = arith.constant 0 : index
    %get3A_93 = vector.load %arg2[%get3A_91, %get3A_92] : memref<10000x1xf32, #tpu.memory_space<vmem>>, vector<10000x1xf32>
    %min3A = arith.minimumf %get3A_93, %mul3A_88 : vector<10000x1xf32>
    %swap3A_94 = arith.constant 0 : index
    %swap3A_95 = arith.constant 0 : index
    %swap3A_96 = vector.load %arg6[%swap3A_94, %swap3A_95] : memref<10000x1xf32, #tpu.memory_space<vmem>>, vector<10000x1xf32>
    tpu.vector_store %arg6[%swap3A_94, %swap3A_95], %min3A {strides = array<i32>} : memref<10000x1xf32, #tpu.memory_space<vmem>>, vector<10000x1xf32>,
    return
  }
}

module attributes {stable_mosaic.version = 14 : i64} {
  func.func @_update_body(%arg0: i32, %arg1: memref<1000x128xf32, #tpu.memory_space<vmem>>, %arg2: memref<1x1000x128xf32, #tpu.memory_space<vmem>>, %arg3: memref<1x1000x128xf32, #tpu.memory_space<vmem>>, %arg4: memref<1000x1xf32, #tpu.memory_space<vmem>>, %arg5: memref<1000x128xf32, #tpu.memory_space<vmem>>) attributes {dimension_semantics = [#tpu.dimension_semantics<arbitrary>], iteration_bounds = array<i64: 10>, scalar_prefetch = 0 : i64, scratch_operands = 0 : i64, tpu.core_type = #tpu.core_type<tc>, window_params = [{transform_indices = @transform_0, window_bounds = array<i64: 1000, 128>}, {transform_indices = @transform_1, window_bounds = array<i64: 1, 1000, 128>}, {transform_indices = @transform_2, window_bounds = array<i64: 1, 1000, 128>}, {transform_indices = @transform_3, window_bounds = array<i64: 1000, 1>}, {transform_indices = @transform_4, window_bounds = array<i64: 1000, 128>}]} {
    %get3A = arith.constant 0 : index
    %get3A_0 = arith.constant 0 : index
    %get3A_1 = arith.constant 0 : index
    %get3A_2 = vector.load %arg2[%get3A, %get3A_0, %get3A_1] : memref<1x1000x128xf32, #tpu.memory_space<vmem>>, vector<1x1000x128xf32>
    %get3A_3 = vector.shape_cast %get3A_2 : vector<1x1000x128xf32> to vector<1000x128xf32>
    %get3A_4 = arith.constant 0 : index
    %get3A_5 = arith.constant 0 : index
    %get3A_6 = arith.constant 0 : index
    %get3A_7 = vector.load %arg3[%get3A_4, %get3A_5, %get3A_6] : memref<1x1000x128xf32, #tpu.memory_space<vmem>>, vector<1x1000x128xf32>
    %get3A_8 = vector.shape_cast %get3A_7 : vector<1x1000x128xf32> to vector<1000x128xf32>
    %add3A = arith.addf %get3A_3, %get3A_8 : vector<1000x128xf32>
    %max3A = arith.constant 0.000000e+00 : f32
    %max3A_9 = vector.broadcast %max3A : f32 to vector<1000x128xf32>
    %max3A_10 = arith.maximumf %add3A, %max3A_9 : vector<1000x128xf32>
    %get3A_11 = arith.constant 0 : index
    %get3A_12 = arith.constant 0 : index
    %get3A_13 = vector.load %arg1[%get3A_11, %get3A_12] : memref<1000x128xf32, #tpu.memory_space<vmem>>, vector<1000x128xf32>
    %get3A_14 = arith.constant 0 : index
    %get3A_15 = arith.constant 0 : index
    %get3A_16 = vector.load %arg4[%get3A_14, %get3A_15] : memref<1000x1xf32, #tpu.memory_space<vmem>>, vector<1000x1xf32>
    %mul3A = vector.broadcast %get3A_16 : vector<1000x1xf32> to vector<1000x128xf32>
    %mul3A_17 = arith.mulf %mul3A, %max3A_10 : vector<1000x128xf32>
    %add3A_18 = arith.addf %get3A_13, %mul3A_17 : vector<1000x128xf32>
    %swap3A = arith.constant 0 : index
    %swap3A_19 = arith.constant 0 : index
    %swap3A_20 = vector.load %arg5[%swap3A, %swap3A_19] : memref<1000x128xf32, #tpu.memory_space<vmem>>, vector<1000x128xf32>
    tpu.vector_store %arg5[%swap3A, %swap3A_19], %add3A_18 {strides = array<i32>} : memref<1000x128xf32, #tpu.memory_space<vmem>>, vector<1000x128xf32>,
    return
  }
  func.func @transform_0(%arg0: i32) -> (i32, i32) {
    %c0_i32 = arith.constant 0 : i32
    %c0_i32_0 = arith.constant 0 : i32
    return %arg0, %c0_i32 : i32, i32
  }
  func.func @transform_1(%arg0: i32) -> (i32, i32, i32) {
    %c0_i32 = arith.constant 0 : i32
    %c0_i32_0 = arith.constant 0 : i32
    %c0_i32_1 = arith.constant 0 : i32
    return %c0_i32, %arg0, %c0_i32_0 : i32, i32, i32
  }
  func.func @transform_2(%arg0: i32) -> (i32, i32, i32) {
    %c1_i32 = arith.constant 1 : i32
    %c0_i32 = arith.constant 0 : i32
    %c0_i32_0 = arith.constant 0 : i32
    return %c1_i32, %arg0, %c0_i32 : i32, i32, i32
  }
  func.func @transform_3(%arg0: i32) -> (i32, i32) {
    %c0_i32 = arith.constant 0 : i32
    %c0_i32_0 = arith.constant 0 : i32
    return %arg0, %c0_i32 : i32, i32
  }
  func.func @transform_4(%arg0: i32) -> (i32, i32) {
    %c0_i32 = arith.constant 0 : i32
    %c0_i32_0 = arith.constant 0 : i32
    return %arg0, %c0_i32 : i32, i32
  }
}

</mosaic_0001>

<sc_bundles>
// kernel: kernel.6.cloned.1.call-start
scs
__scs_entry_jumppad:
0x0: {  	(pc) =	sbr.rel $0x88, $3  }
0x1: {  	(tag) =	ssettag $0x0;
	lr =	simm.s32 $0x1  }
0x2: {  	[smem:$0x3F9B] =	sst lr;
	_ =	strace $0xD0000000  }
0x3: {  	_ = 	snop  }
0x4: {  	_ = 	snop  }
0x5: {  	_ = 	snop  }
0x6: {  	_ = 	snop  }
0x7: {  	_ = 	snop  }
__scs_overlays_trampoline_lowered:
0x8: {  	[smem:$0x3FAA] =	sst s0  }
0x9: {  	[smem:$0x3FAB] =	sst s1  }
0xa: {  	[smem:$0x3FAC] =	sst s2  }
0xb: {  	[smem:$0x3FAD] =	sst s3  }
0xc: {  	[smem:$0x3FAE] =	sst s4  }
0xd: {  	[smem:$0x3FAF] =	sst s5  }
0xe: {  	[smem:$0x3FB0] =	sst s6  }
0xf: {  	[smem:$0x3FB1] =	sst s7  }
0x10: {  	[smem:$0x3FB2] =	sst s8  }
0x11: {  	[smem:$0x3FB3] =	sst s9;
	s0 =	simm.s32 @!p0 $0x0  }
0x12: {  	s1 =	sld [smem:$0x3F99];
	s0 =	simm.s32 @p0 $0x1  }
0x13: {  	[smem:$0x3FB4] =	sst s0;
	s0 =	simm.s32 @!p1 $0x0  }
0x14: {  	s2 =	sld [smem:$0x3F98];
	s0 =	simm.s32 @p1 $0x1  }
0x15: {  	[smem:$0x3FB5] =	sst s0;
	s0 =	simm.s32 @!p2 $0x0  }
0x16: {  	s3 =	sld [smem:$0x3FDB];
	s0 =	simm.s32 @p2 $0x1  }
0x17: {  	s4 =	simm.s32 $0x1BF5;
	[smem:$0x3FB7] =	sst s0  }
0x18: {  	s0 =	sld [smem:$0x3F9A];
	_ =	swait.ge [sflag:s4], $0x0  }
0x19: {  	s7 =	sld [smem:$0x3F9B]  }
0x1a: {  	s8 =	sadd.s32 $0xFFFFE003, lr  }
0x1b: {  	s9 =	sadd.s32 $0xFFFFFEF7, lr;
	s5 =	simm.s32 $0xFFFFFFFF;
	p2 =	slt.u32 s8, $0xFFFFF086  }
0x1c: {  	p1 =	slt.u32 s9, $0xF7A;
	s5 =	simm.s32 @!p2 $0x0  }
0x1d: {  	s5 =	simm.s32 @p1 $0x1;
	p0 =	seq.s32 s7, s2  }
0x1e: {  	s7 =	smul.u32 @!p0 $0xF7A, s2;
	p2 =	seq.s32 @!p0 s5, $0x0  }
0x1f: {  	s9 =	smul.u32 $0xF7A, s1;
	s8 =	simm.s32 @!p0 $0x1BF5;
	p2 =	por !p2, p0  }
0x20: {  	[sflag:s8] =	ssyncset.s32 @!p0 $0xFFFFF086;
	s6 =	sadd.s32 @!p0 s3, s7;
	s7 =	simm.s32 @!p0 $0x108  }
0x21: {  	s3 =	sadd.s32 s3, s9;
	s6 =	sadd.s32 @!p0 $0x88, s6;
	s7 =	simm.s32 @p2 $0x1082  }
0x22: {  	[simem:s7], [sflag:s8] =	dma.local @!p0 [hbm:s6], $0xF7A  }
0x23: {  	s9 =	sor.u32 $0xD0000000, s2;
	s6 =	simm.s32 $0x108;
	_ =	swait.ge @!p0 [sflag:s8], $0x0  }
0x24: {  	s3 =	sadd.s32 $0x88, s3;
	s6 =	simm.s32 @!p1 $0x1082;
	[sflag:s4] =	ssyncset.s32 $0xFFFFF086  }
0x25: {  	[simem:s6], [sflag:s4] =	dma.local [hbm:s3], $0xF7A  }
0x26: {  	[smem:$0x3F9B] =	sst s1;
	(tag) =	ssettag s2;
	_ =	strace s9  }
0x27: {  	s1 =	sld [smem:$0x3FAB]  }
0x28: {  	s2 =	sld [smem:$0x3FAC]  }
0x29: {  	s4 =	sld [smem:$0x3FAE]  }
0x2a: {  	p0 =	seq.s32 s5, $0x0;
	s5 =	sld [smem:$0x3FAF]  }
0x2b: {  	s6 =	sld [smem:$0x3FB0]  }
0x2c: {  	s7 =	sld [smem:$0x3FB1]  }
0x2d: {  	s3 =	simm.s32 $0x108;
	s8 =	sld [smem:$0x3FB2]  }
0x2e: {  	s3 =	simm.s32 @!p0 $0x1082;
	s9 =	sld [smem:$0x3FB3]  }
0x2f: {  	lr =	sadd.s32 s0, s3;
	s0 =	sld [smem:$0x3FAA]  }
0x30: {  	s3 =	sld [smem:$0x3FAD]  }
0x31: {  	[smem:$0x3FB6] =	sst s10  }
0x32: {  	s10 =	sld [smem:$0x3FB4];
	_ =	sdelay $0x3  }
0x33: {  	p0 =	seq.s32 s10, $0x1;
	s10 =	sld [smem:$0x3FB6];
	_ =	sdelay $0x3  }
0x34: {  	[smem:$0x3FB6] =	sst s10  }
0x35: {  	s10 =	sld [smem:$0x3FB5];
	_ =	sdelay $0x3  }
0x36: {  	p1 =	seq.s32 s10, $0x1;
	s10 =	sld [smem:$0x3FB6];
	_ =	sdelay $0x3  }
0x37: {  	[smem:$0x3FB6] =	sst s10  }
0x38: {  	s10 =	sld [smem:$0x3FB7]  }
0x39: {  	_ = 	snop;
	(pc) =	sbr.ind lr, $3  }
0x3a: {  	_ = 	snop  }
0x3b: {  	_ = 	snop  }
0x3c: {  	p2 =	seq.s32 s10, $0x1;
	s10 =	sld [smem:$0x3FB6]  }
0x3d: {  	_ =	shalt  }
0x3e: {  	_ =	shalt  }
0x3f: {  	_ =	shalt  }
0x40: {  	_ =	shalt  }
0x41: {  	_ =	shalt  }
0x42: {  	_ =	shalt  }
0x43: {  	_ =	shalt  }
0x44: {  	_ =	shalt  }
0x45: {  	_ =	shalt  }
0x46: {  	_ =	shalt  }
0x47: {  	_ =	shalt  }
0x48: {  	_ =	shalt  }
0x49: {  	_ =	shalt  }
0x4a: {  	_ =	shalt  }
0x4b: {  	_ =	shalt  }
0x4c: {  	_ =	shalt  }
0x4d: {  	_ =	shalt  }
0x4e: {  	_ =	shalt  }
0x4f: {  	_ =	shalt  }
0x50: {  	_ =	shalt  }
0x51: {  	_ =	shalt  }
0x52: {  	_ =	shalt  }
0x53: {  	_ =	shalt  }
0x54: {  	_ =	shalt  }
0x55: {  	_ =	shalt  }
0x56: {  	_ =	shalt  }
0x57: {  	_ =	shalt  }
0x58: {  	_ =	shalt  }
0x59: {  	_ =	shalt  }
0x5a: {  	_ =	shalt  }
0x5b: {  	_ =	shalt  }
0x5c: {  	_ =	shalt  }
0x5d: {  	_ =	shalt  }
0x5e: {  	_ =	shalt  }
0x5f: {  	_ =	shalt  }
0x60: {  	_ =	shalt  }
0x61: {  	_ =	shalt  }
0x62: {  	_ =	shalt  }
0x63: {  	_ =	shalt  }
0x64: {  	_ =	shalt  }
0x65: {  	_ =	shalt  }
0x66: {  	_ =	shalt  }
0x67: {  	_ =	shalt  }
0x68: {  	_ =	shalt  }
0x69: {  	_ =	shalt  }
0x6a: {  	_ =	shalt  }
0x6b: {  	_ =	shalt  }
0x6c: {  	_ =	shalt  }
0x6d: {  	_ =	shalt  }
0x6e: {  	_ =	shalt  }
0x6f: {  	_ =	shalt  }
0x70: {  	_ =	shalt  }
0x71: {  	_ =	shalt  }
0x72: {  	_ =	shalt  }
0x73: {  	_ =	shalt  }
0x74: {  	_ =	shalt  }
0x75: {  	_ =	shalt  }
0x76: {  	_ =	shalt  }
0x77: {  	_ =	shalt  }
0x78: {  	_ =	shalt  }
0x79: {  	_ =	shalt  }
0x7a: {  	_ =	shalt  }
0x7b: {  	_ =	shalt  }
0x7c: {  	_ =	shalt  }
0x7d: {  	_ =	shalt  }
0x7e: {  	_ =	shalt  }
0x7f: {  	_ =	shalt  }
0x80: {  	_ =	shalt  }
0x81: {  	_ =	shalt  }
0x82: {  	_ =	shalt  }
0x83: {  	_ =	shalt  }
0x84: {  	_ =	shalt  }
0x85: {  	_ =	shalt  }
0x86: {  	_ =	shalt  }
0x87: {  	_ =	shalt  }
.Lfunc_end0:
.L_simem_size_0:
called_computation_lowered:
.L_overlay_start_0:
0x88: {  	s2 =	sld [smem:$0x3FD9]  }
0x89: {  	s3 =	sld [smem:$0x3FFE];
	_ =	sdelay $0x1  }
0x8a: {  	s1 =	srdreg.scid  }
0x8b: {  	s0 =	sand.u32 $0x1, s1  }
0x8c: {  	s14 =	sshll.u32 s0, $0xA;
	s2 =	sadd.s32 s3, s2  }
0x8d: {  	s2 =	sadd.s32 s2, s14  }
0x8e: {  	[smem:$0x3FC2] =	sst s2  }
0x8f: {  	_ = 	snop  }
0x90: {  	s2 =	sld [smem:$0x3FD0];
	_ =	sdelay $0x2  }
0x91: {  	s4 =	simm.s32 $0xA;
	s5 =	simm.s32 $0x10;
	s15 =	sld [smem:$0x3FC9]  }
0x92: {  	[smem:s5], [sflag:s4] =	dma.local [hbm:s2], $0x1  }
0x93: {  	_ =	swait.eq [sflag:s4], $0x1  }
0x94: {  	[sflag:s4] =	ssyncset.done $0x0  }
0x95: {  	[sflag:s4] =	ssyncadd.s32 $0xFFFFFFFF  }
0x96: {  	s16 =	sld [smem:$0x10];
	(tm) =	ssettm $0x1  }
0x97: {  	s17 =	sld [smem:$0x3FFB];
	_ =	sdelay $0x3  }
0x98: {  	_ =	strace s17  }
0x99: {  	s4 =	sld [smem:$0x3FFC];
	_ =	sdelay $0x3  }
0x9a: {  	_ =	strace s4  }
0x9b: {  	s4 =	sld [smem:$0x3FFD];
	_ =	sdelay $0x3  }
0x9c: {  	_ =	strace s4  }
0x9d: {  	_ =	strace $0x8FFFFFFF  }
0x9e: {  	s18 =	sld [smem:$0x3FDB];
	_ =	sdelay $0x1  }
0x9f: {  	s19 =	simm.s32 $_scs_section_size  }
0xa0: {  	s6 =	simm.s32 $_size__tile_overlayer_lowered;
	s7 =	simm.s32 $_tile_overlayer_lowered  }
0xa1: {  	s22 =	simm.s32 $0x1BFF;
	s21 =	sshll.u32 s7, $0x1;
	s4 =	sadd.s32 s19, s18  }
0xa2: {  	s8 =	simm.s32 $0x0;
	s20 =	sshll.u32 s6, $0x1;
	s6 =	sadd.s32 s21, s4  }
0xa3: {  	[timem:s8], [sflag:s22] =	dma.local [hbm:s6], s20  }
0xa4: {  	_ =	swait.ge [sflag:s22], s20  }
0xa5: {  	s5 =	ssub.s32 $0x0, s20;
	[sflag:s22] =	ssyncset.done $0x0  }
0xa6: {  	[sflag:s22] =	ssyncadd.s32 s5;
	_ =	sdelay $0x1  }
0xa7: {  	s23 =	simm.s32 $0x1B8B  }
0xa8: {  	_ =	swait.ge [sflag:s23], $0x1  }
0xa9: {  	[sflag:s23] =	ssyncset.done $0x0  }
0xaa: {  	s25 =	simm.s32 $0x1B8E;
	s24 =	sld [smem:$0x3FFE];
	[sflag:s23] =	ssyncadd.s32 $0xFFFFFFFF  }
0xab: {  	s26 =	simm.s32 $execute0_lowered;
	[smem:$0x3FD2] =	sst s25  }
0xac: {  	s6 =	sshll.u32 s26, $0x1;
	_ =	strace $0x80000046;
	[dreg:$0x1] =	wrdreg $0xFFFFFFFF  }
0xad: {  	s28 =	simm.s32 $_size_execute0_lowered;
	s4 =	sadd.s32 s4, s6;
	[dreg:$0x0] =	wrdreg $0x0  }
0xae: {  	s6 =	sshll.u32 s28, $0x1;
	[dreg:$0x2] =	wrdreg s4  }
0xaf: {  	[dreg:$0x3] =	wrdreg s6  }
0xb0: {  	[dreg:$0x4] =	wrdreg $0xC0  }
0xb1: {  	_ =	task [dreg:s8], $0x5FFFF  }
0xb2: {  	[dreg:$0x1] =	wrdreg $0xFFFFFFFF  }
0xb3: {  	[dreg:$0x0] =	wrdreg $0x60  }
0xb4: {  	[dreg:$0x2] =	wrdreg s24  }
0xb5: {  	[dreg:$0x3] =	wrdreg s15  }
0xb6: {  	[dreg:$0x4] =	wrdreg s16  }
0xb7: {  	[dreg:$0x5] =	wrdreg $0x81B00  }
0xb8: {  	[dreg:$0x6] =	wrdreg $0xA9B00  }
0xb9: {  	[dreg:$0x7] =	wrdreg $0x9  }
0xba: {  	_ =	task.clear_ibuf [dreg:s8], $0x8FFFF;
	_ =	strace $0x90000046  }
0xbb: {  	s29 =	simm.s32 $0x9;
	_ =	strace $0x80000048  }
0xbc: {  	_ =	swait.ge [sflag:s29], $0x1  }
0xbd: {  	[sflag:s29] =	ssyncadd.s32 $0xFFFFFFFF  }
0xbe: {  	_ =	strace $0x90000048  }
0xbf: {  	_ =	sfence  }
0xc0: {  	s30 =	sld [smem:$0x0];
	_ =	sdelay $0x2  }
0xc1: {  	s31 =	sshll.u32 s1, $0xD;
	s1 =	sshrl.u32 s1, $0x2  }
0xc2: {  	s3 =	sand.u32 $0x4000, s31;
	s1 =	sadd.s32 s1, s30  }
0xc3: {  	s0 =	sor.u32 s3, s0;
	s1 =	sshll.u32 s1, $0x11  }
0xc4: {  	s0 =	sor.u32 s1, s0  }
0xc5: {  	s0 =	sadd.s32 $0x8F2B, s0  }
0xc6: {  	[sflag:s0] =	ssyncadd.remote.s32 $0x1  }
0xc7: {  	_ =	sfence.sel $0xFFFF  }
0xc8: {  	[dreg:$0x0] =	wrdreg $0xFFFFFFFF;
	(pc) =	sbr.abs _section_cstart, $3  }
0xc9: {  	[dreg:$0x1] =	wrdreg $0xFFFFFFFF  }
0xca: {  	_ =	task.clear_ibuf [dreg:s8], $0x2FFFF;
	_ =	strace $0x9FFFFFFF  }
0xcb: {  	(tm) =	ssettm $0x7FFFFFFF  }
tec
execute0_lowered:
.L_overlay_start_1:
0x0: {  	(tag) =	ssettag $0x1  }
0x1: {  	s0 =	rddreg [dreg:$0x0]  }
0x2: {  	s1 =	rddreg [dreg:$0x1]  }
0x3: {  	s2 =	rddreg [dreg:$0x2]  }
0x4: {  	s4 =	srdreg.scid;
	s18 =	stileid.u32  }
0x5: {  	s3 =	rddreg [dreg:$0x3];
	s28 =	simm.s32 $0x31B0;
	s10 =	smul.u32 $0x2800, s18  }
0x6: {  	s29 =	simm.s32 $0x2CB0;
	s8 =	sand.u32 $0x1, s4;
	s11 =	smul.u32 $0x14000, s18  }
0x7: {  	s5 =	sshll.u32 s18, $0x1;
	s26 =	sshll.u32 s18, $0x6;
	s18 =	smul.u32 $0x4E20, s18  }
0x8: {  	s30 =	simm.s32 $0x59B0;
	s31 =	simm.s32 $0x2;
	s13 =	smul.u32 $0x140000, s8  }
0x9: {  	s4 =	rddreg [dreg:$0x4];
	s6 =	sor.u32 s8, s5;
	s25 =	smul.u32 $0x28000, s8  }
0xa: {  	s5 =	simm.s32 $0x0;
	s16 =	ssub.s32 $0x2, s8;
	s8 =	smul.u32 $0x2710, s8  }
0xb: {  	s7 =	smul.u32 $0x2710, s6;
	[smem:$0x7FF] =	sst s5;
	s6 =	sadd.s32 $0xB000, s0  }
0xc: {  	s9 =	sshrl.u32 s10, $0x3;
	s15 =	sshrl.u32 s11, $0x3;
	s17 =	sshrl.u32 s16, $0x1  }
0xd: {  	s20 =	sadd.s32 s10, s3;
	_ =	strace $0x80000047;
	s9 =	sadd.s32 s9, s0  }
0xe: {  	s13 =	sadd.s32 s11, s13;
	s15 =	sadd.s32 s15, s0;
	s16 =	ssub.s32 s16, s17  }
0xf: {  	s11 =	sadd.s32 s11, s4;
	s10 =	sadd.s32 s10, s25;
	s8 =	sadd.s32 s8, s18  }
0x10: {  	s12 =	sshrl.u32 s7, $0x3;
	s7 =	sadd.s32 $0x41E00, s0;
	s13 =	sshrl.u32 s13, $0x3  }
0x11: {  	s9 =	sadd.s32 $0x3CE00, s9;
	[dreg:$0x7] =	wrdreg s11;
	s19 =	sadd.s32 $0x14E00, s15  }
0x12: {  	s10 =	sshrl.u32 s10, $0x3;
	s23 =	sadd.s32 $0xF0, s8;
	s25 =	smax.u32 s16, $0x1  }
0x13: {  	s17 =	sadd.s32 $0xA0, s8;
	s11 =	simm.s32 $0x2760;
	s14 =	sadd.s32 s12, s0  }
0x14: {  	s0 =	sadd.s32 s13, s0;
	[dreg:$0x6] =	wrdreg s9;
	s9 =	sor.u32 $0x1C06, s26  }
0x15: {  	[dreg:$0x8] =	wrdreg s19;
	s13 =	sadd.s32 s6, s12;
	s2 =	sadd.s32 s2, s10  }
0x16: {  	s24 =	sshrl.u32 s23, $0x3;
	[dreg:$0xd] =	wrdreg s25;
	s25 =	simm.s32 $0x50  }
0x17: {  	s23 =	simm.s32 $0x5;
	s21 =	sadd.s32 $0x1200, s14;
	[dreg:$0xb] =	wrdreg s2  }
0x18: {  	s12 =	simm.s32 $0x0;
	s22 =	sadd.s32 $0xA, s13;
	[dreg:$0x9] =	wrdreg s21  }
0x19: {  	s0 =	sadd.s32 $0x46E00, s0;
	s26 =	sadd.s32 $0x4D8, s13;
	[dreg:$0xa] =	wrdreg s22  }
0x1a: {  	s19 =	sadd.s32 s24, s6;
	s24 =	simm.s32 $0x1;
	[dreg:$0xc] =	wrdreg s0  }
0x1b: {  	s2 =	simm.s32 $0x3;
	[dreg:$0xe] =	wrdreg s26;
	s21 =	sshrl.u32 s20, $0x3  }
0x1c: {  	s22 =	simm.s32 $0x6;
	s26 =	simm.s32 $0x27B0;
	s0 =	simm.s32 $0x4  }
.LBB2_1:
0x1d: {  	s8 =	rddreg [dreg:$0x6]  }
0x1e: {  	[spmem:s21], [sflag:s9] =	dma.local [hbm:s8], $0x500  }
0x1f: {  	_ =	swait.ge [sflag:s22], $0x500  }
0x20: {  	[sflag:s22] =	ssyncset.done $0x0;
	s20 =	rddreg [dreg:$0x7]  }
0x21: {  	s10 =	rddreg [dreg:$0x8];
	[sflag:s22] =	ssyncadd.s32 $0xFFFFFB00;
	s14 =	sshrl.u32 s20, $0x3  }
0x22: {  	[spmem:s14], [sflag:s9] =	dma.local [hbm:s10], $0x2800  }
0x23: {  	_ =	swait.ge [sflag:s22], $0x2800  }
0x24: {  	[sflag:s22] =	ssyncset.done $0x0  }
0x25: {  	[sflag:s22] =	ssyncadd.s32 $0xFFFFD800  }
0x26: {  	[bflag:$0x0] =	sbarrier.arrive $0xFFFF  }
0x27: {  	s10 =	simm.s32 $0xA0;
	s15 =	rddreg [dreg:$0x9]  }
0x28: {  	[tilespmem:s10], [sflag:$0x6] =	stream.linear.gather [hbm4b:s15+s5], $0x2710, $0x38;
	[tilespmem:$0x1E9B0] =	vst v63  }
0x29: {  	_ =	swait.ge [sflag:s22], $0x2710  }
0x2a: {  	[sflag:s22] =	ssyncset.done $0x0  }
0x2b: {  	[sflag:s22] =	ssyncadd.s32 $0xFFFFD8F0  }
0x2c: {  	[tilespmem:s5], [sflag:$0x1] =	stream.linear.gather [hbm4b:s13+s5], $0x50, $0x38;
	[tilespmem:$0x1E9B0] =	vst v63  }
0x2d: {  	_ =	swait.ge [sflag:s24], $0x50  }
0x2e: {  	[sflag:s24] =	ssyncset.done $0x0  }
0x2f: {  	[sflag:s24] =	ssyncadd.s32 $0xFFFFFFB0  }
0x30: {  	[tilespmem:s26], [sflag:$0x2] =	stream.indirect.gather [hbm4b:s7+s25], $0x10, s5, s25, $0xb8;
	[tilespmem:$0x1E9B0] =	vst v63  }
0x31: {  	_ = 	snop  }
0x32: {  	[tilespmem:s28], [sflag:$0x3] =	stream.indirect.gather [hbm4b:s1+s25], $0x80, s5, s25, $0xb8;
	[tilespmem:$0x1E9B0] =	vst v63  }
0x33: {  	s16 =	rddreg [dreg:$0xa]  }
0x34: {  	[tilespmem:s25], [sflag:$0x1] =	stream.linear.gather [hbm4b:s16+s5], $0x50, $0x38;
	[tilespmem:$0x1E9B0] =	vst v63  }
0x35: {  	_ =	swait.ge [sflag:s24], $0x50  }
0x36: {  	[sflag:s24] =	ssyncset.done $0x0  }
0x37: {  	[sflag:s24] =	ssyncadd.s32 $0xFFFFFFB0  }
0x38: {  	[tilespmem:s29], [sflag:$0x2] =	stream.indirect.gather [hbm4b:s7+s25], $0x10, s25, s25, $0xb8;
	[tilespmem:$0x1E9B0] =	vst v63  }
0x39: {  	_ = 	snop  }
0x3a: {  	[tilespmem:s30], [sflag:$0x3] =	stream.indirect.gather [hbm4b:s1+s25], $0x80, s25, s25, $0xb8;
	[tilespmem:$0x1E9B0] =	vst v63  }
0x3b: {  	_ =	swait.ge [sflag:s31], $0x500  }
0x3c: {  	[sflag:s31] =	ssyncset.done $0x0  }
0x3d: {  	[sflag:s31] =	ssyncadd.s32 $0xFFFFFB00  }
0x3e: {  	_ =	swait.ge [sflag:s2], $0x2800  }
0x3f: {  	[sflag:s2] =	ssyncset.done $0x0  }
0x40: {  	s15 =	simm.s32 $0xA0;
	[sflag:s2] =	ssyncadd.s32 $0xFFFFD800  }
0x41: {  	[spmem:s3] =	stream.indirect.scatter.add.f32 [tilespmem:s26], [sflag:$0x4], $0x10, s15, s25, $0xb8;
	[tilespmem:$0x1E9B0] =	vst v63  }
0x42: {  	s16 =	sshrl.u32 s17, $0x3  }
0x43: {  	[spmem:s4] =	stream.indirect.scatter.add.f32 [tilespmem:s28], [sflag:$0x5], $0x80, s15, s25, $0xb8;
	[tilespmem:$0x1E9B0] =	vst v63  }
0x44: {  	s18 =	sadd.s32 s6, s16  }
0x45: {  	[tilespmem:s5], [sflag:$0x1] =	stream.linear.gather [hbm4b:s18+s5], $0x50, $0x38;
	[tilespmem:$0x1E9B0] =	vst v63  }
0x46: {  	_ =	swait.ge [sflag:s31], $0x500  }
0x47: {  	[sflag:s31] =	ssyncset.done $0x0  }
0x48: {  	[sflag:s31] =	ssyncadd.s32 $0xFFFFFB00  }
0x49: {  	_ =	swait.ge [sflag:s2], $0x2800  }
0x4a: {  	[sflag:s2] =	ssyncset.done $0x0  }
0x4b: {  	s15 =	simm.s32 $0xF0;
	[sflag:s2] =	ssyncadd.s32 $0xFFFFD800  }
0x4c: {  	[spmem:s3] =	stream.indirect.scatter.add.f32 [tilespmem:s29], [sflag:$0x4], $0x10, s15, s25, $0xb8;
	[tilespmem:$0x1E9B0] =	vst v63  }
0x4d: {  	_ = 	snop  }
0x4e: {  	[spmem:s4] =	stream.indirect.scatter.add.f32 [tilespmem:s30], [sflag:$0x5], $0x80, s15, s25, $0xb8;
	[tilespmem:$0x1E9B0] =	vst v63  }
0x4f: {  	s20 =	sadd.s32 $0x0, s19  }
0x50: {  	[tilespmem:s25], [sflag:$0x1] =	stream.linear.gather [hbm4b:s20+s5], $0x50, $0x38;
	[tilespmem:$0x1E9B0] =	vst v63  }
0x51: {  	_ =	swait.ge [sflag:s0], $0x500  }
0x52: {  	[sflag:s0] =	ssyncset.done $0x0  }
0x53: {  	[sflag:s0] =	ssyncadd.s32 $0xFFFFFB00  }
0x54: {  	_ =	swait.ge [sflag:s23], $0x2800  }
0x55: {  	[sflag:s23] =	ssyncset.done $0x0  }
0x56: {  	[sflag:s23] =	ssyncadd.s32 $0xFFFFD800  }
0x57: {  	_ =	swait.ge [sflag:s24], $0x50  }
0x58: {  	[sflag:s24] =	ssyncset.done $0x0  }
0x59: {  	[sflag:s24] =	ssyncadd.s32 $0xFFFFFFB0  }
0x5a: {  	[tilespmem:s26], [sflag:$0x2] =	stream.indirect.gather [hbm4b:s7+s25], $0x10, s5, s25, $0xb8;
	[tilespmem:$0x1E9B0] =	vst v63  }
0x5b: {  	_ = 	snop  }
0x5c: {  	[tilespmem:s28], [sflag:$0x3] =	stream.indirect.gather [hbm4b:s1+s25], $0x80, s5, s25, $0xb8;
	[tilespmem:$0x1E9B0] =	vst v63  }
0x5d: {  	_ =	swait.ge [sflag:s0], $0x500  }
0x5e: {  	[sflag:s0] =	ssyncset.done $0x0  }
0x5f: {  	[sflag:s0] =	ssyncadd.s32 $0xFFFFFB00  }
0x60: {  	_ =	swait.ge [sflag:s23], $0x2800  }
0x61: {  	s16 =	simm.s32 $0x14;
	s20 =	smov.u32 s17;
	[sflag:s23] =	ssyncset.done $0x0  }
.LBB2_2:
0x62: {  	[sflag:s23] =	ssyncadd.s32 $0xFFFFD800  }
0x63: {  	s15 =	sadd.s32 $0xA0, s15;
	s20 =	sadd.s32 $0xA0, s20;
	s18 =	smov.u32 s16  }
0x64: {  	p0 =	sne.s32 s16, $0x4B0;
	s16 =	sadd.s32 $0x14, s16;
	_ =	swait.ge [sflag:s24], $0x50  }
0x65: {  	[sflag:s24] =	ssyncset.done $0x0  }
0x66: {  	[sflag:s24] =	ssyncadd.s32 $0xFFFFFFB0  }
0x67: {  	[tilespmem:s29], [sflag:$0x2] =	stream.indirect.gather [hbm4b:s7+s25], $0x10, s25, s25, $0xb8;
	[tilespmem:$0x1E9B0] =	vst v63  }
0x68: {  	_ = 	snop  }
0x69: {  	[tilespmem:s30], [sflag:$0x3] =	stream.indirect.gather [hbm4b:s1+s25], $0x80, s25, s25, $0xb8;
	[tilespmem:$0x1E9B0] =	vst v63  }
0x6a: {  	_ =	swait.ge [sflag:s31], $0x500  }
0x6b: {  	[sflag:s31] =	ssyncset.done $0x0  }
0x6c: {  	[sflag:s31] =	ssyncadd.s32 $0xFFFFFB00  }
0x6d: {  	_ =	swait.ge [sflag:s2], $0x2800  }
0x6e: {  	[sflag:s2] =	ssyncset.done $0x0  }
0x6f: {  	s8 =	sadd.s32 $0xFFFFFFB0, s15;
	[sflag:s2] =	ssyncadd.s32 $0xFFFFD800  }
0x70: {  	[spmem:s3] =	stream.indirect.scatter.add.f32 [tilespmem:s26], [sflag:$0x4], $0x10, s8, s25, $0xb8;
	[tilespmem:$0x1E9B0] =	vst v63  }
0x71: {  	s10 =	sshrl.u32 s20, $0x3  }
0x72: {  	[spmem:s4] =	stream.indirect.scatter.add.f32 [tilespmem:s28], [sflag:$0x5], $0x80, s8, s25, $0xb8;
	[tilespmem:$0x1E9B0] =	vst v63  }
0x73: {  	s8 =	sadd.s32 s6, s10  }
0x74: {  	[tilespmem:s5], [sflag:$0x1] =	stream.linear.gather [hbm4b:s8+s5], $0x50, $0x38;
	[tilespmem:$0x1E9B0] =	vst v63  }
0x75: {  	_ =	swait.ge [sflag:s31], $0x500  }
0x76: {  	[sflag:s31] =	ssyncset.done $0x0  }
0x77: {  	[sflag:s31] =	ssyncadd.s32 $0xFFFFFB00  }
0x78: {  	_ =	swait.ge [sflag:s2], $0x2800  }
0x79: {  	[sflag:s2] =	ssyncset.done $0x0  }
0x7a: {  	[sflag:s2] =	ssyncadd.s32 $0xFFFFD800  }
0x7b: {  	[spmem:s3] =	stream.indirect.scatter.add.f32 [tilespmem:s29], [sflag:$0x4], $0x10, s15, s25, $0xb8;
	[tilespmem:$0x1E9B0] =	vst v63  }
0x7c: {  	_ = 	snop  }
0x7d: {  	[spmem:s4] =	stream.indirect.scatter.add.f32 [tilespmem:s30], [sflag:$0x5], $0x80, s15, s25, $0xb8;
	[tilespmem:$0x1E9B0] =	vst v63  }
0x7e: {  	s8 =	sadd.s32 s18, s19  }
0x7f: {  	[tilespmem:s25], [sflag:$0x1] =	stream.linear.gather [hbm4b:s8+s5], $0x50, $0x38;
	[tilespmem:$0x1E9B0] =	vst v63  }
0x80: {  	_ =	swait.ge [sflag:s0], $0x500  }
0x81: {  	[sflag:s0] =	ssyncset.done $0x0  }
0x82: {  	[sflag:s0] =	ssyncadd.s32 $0xFFFFFB00  }
0x83: {  	_ =	swait.ge [sflag:s23], $0x2800  }
0x84: {  	[sflag:s23] =	ssyncset.done $0x0  }
0x85: {  	[sflag:s23] =	ssyncadd.s32 $0xFFFFD800  }
0x86: {  	_ =	swait.ge [sflag:s24], $0x50  }
0x87: {  	[sflag:s24] =	ssyncset.done $0x0  }
0x88: {  	[sflag:s24] =	ssyncadd.s32 $0xFFFFFFB0  }
0x89: {  	[tilespmem:s26], [sflag:$0x2] =	stream.indirect.gather [hbm4b:s7+s25], $0x10, s5, s25, $0xb8;
	[tilespmem:$0x1E9B0] =	vst v63  }
0x8a: {  	_ = 	snop  }
0x8b: {  	[tilespmem:s28], [sflag:$0x3] =	stream.indirect.gather [hbm4b:s1+s25], $0x80, s5, s25, $0xb8;
	[tilespmem:$0x1E9B0] =	vst v63  }
.Ltmp0:
0x8c: {  	_ =	swait.ge [sflag:s0], $0x500;
	(pc) =	sbr.rel @p0 .LBB2_2-.Ltmp0, $4  }
0x8d: {  	[sflag:s0] =	ssyncset.done $0x0  }
0x8e: {  	[sflag:s0] =	ssyncadd.s32 $0xFFFFFB00  }
0x8f: {  	_ =	swait.ge [sflag:s23], $0x2800  }
0x90: {  	[sflag:s23] =	ssyncset.done $0x0  }
0x91: {  	[sflag:s23] =	ssyncadd.s32 $0xFFFFD800  }
0x92: {  	_ =	swait.ge [sflag:s24], $0x50  }
0x93: {  	[sflag:s24] =	ssyncset.done $0x0  }
0x94: {  	[sflag:s24] =	ssyncadd.s32 $0xFFFFFFB0  }
0x95: {  	[tilespmem:s29], [sflag:$0x2] =	stream.indirect.gather [hbm4b:s7+s25], $0x10, s25, s25, $0xb8;
	[tilespmem:$0x1E9B0] =	vst v63  }
0x96: {  	_ = 	snop  }
0x97: {  	[tilespmem:s30], [sflag:$0x3] =	stream.indirect.gather [hbm4b:s1+s25], $0x80, s25, s25, $0xb8;
	[tilespmem:$0x1E9B0] =	vst v63  }
0x98: {  	_ =	swait.ge [sflag:s31], $0x500  }
0x99: {  	[sflag:s31] =	ssyncset.done $0x0  }
0x9a: {  	[sflag:s31] =	ssyncadd.s32 $0xFFFFFB00  }
0x9b: {  	_ =	swait.ge [sflag:s2], $0x2800  }
0x9c: {  	[sflag:s2] =	ssyncset.done $0x0  }
0x9d: {  	s8 =	simm.s32 $0x26C0;
	[sflag:s2] =	ssyncadd.s32 $0xFFFFD800  }
0x9e: {  	[spmem:s3] =	stream.indirect.scatter.add.f32 [tilespmem:s26], [sflag:$0x4], $0x10, s8, s25, $0xb8;
	[tilespmem:$0x1E9B0] =	vst v63  }
0x9f: {  	_ = 	snop  }
0xa0: {  	[spmem:s4] =	stream.indirect.scatter.add.f32 [tilespmem:s28], [sflag:$0x5], $0x80, s8, s25, $0xb8;
	[tilespmem:$0x1E9B0] =	vst v63  }
0xa1: {  	s10 =	rddreg [dreg:$0xe]  }
0xa2: {  	[tilespmem:s5], [sflag:$0x1] =	stream.linear.gather [hbm4b:s10+s5], $0x50, $0x38;
	[tilespmem:$0x1E9B0] =	vst v63  }
0xa3: {  	_ =	swait.ge [sflag:s31], $0x500  }
0xa4: {  	[sflag:s31] =	ssyncset.done $0x0  }
0xa5: {  	[sflag:s31] =	ssyncadd.s32 $0xFFFFFB00  }
0xa6: {  	_ =	swait.ge [sflag:s2], $0x2800  }
0xa7: {  	[sflag:s2] =	ssyncset.done $0x0  }
0xa8: {  	s15 =	simm.s32 $0x2710;
	[sflag:s2] =	ssyncadd.s32 $0xFFFFD800  }
0xa9: {  	[spmem:s3] =	stream.indirect.scatter.add.f32 [tilespmem:s29], [sflag:$0x4], $0x10, s15, s25, $0xb8;
	[tilespmem:$0x1E9B0] =	vst v63  }
0xaa: {  	_ = 	snop  }
0xab: {  	[spmem:s4] =	stream.indirect.scatter.add.f32 [tilespmem:s30], [sflag:$0x5], $0x80, s15, s25, $0xb8;
	[tilespmem:$0x1E9B0] =	vst v63  }
0xac: {  	_ = 	snop  }
0xad: {  	[tilespmem:s25], [sflag:$0x1] =	stream.linear.gather [hbm4b:s13+s5], $0x50, $0x38;
	[tilespmem:$0x1E9B0] =	vst v63  }
0xae: {  	_ =	swait.ge [sflag:s0], $0x500  }
0xaf: {  	[sflag:s0] =	ssyncset.done $0x0  }
0xb0: {  	[sflag:s0] =	ssyncadd.s32 $0xFFFFFB00  }
0xb1: {  	_ =	swait.ge [sflag:s23], $0x2800  }
0xb2: {  	[sflag:s23] =	ssyncset.done $0x0  }
0xb3: {  	[sflag:s23] =	ssyncadd.s32 $0xFFFFD800  }
0xb4: {  	_ =	swait.ge [sflag:s24], $0x50  }
0xb5: {  	[sflag:s24] =	ssyncset.done $0x0  }
0xb6: {  	[sflag:s24] =	ssyncadd.s32 $0xFFFFFFB0  }
0xb7: {  	[tilespmem:s26], [sflag:$0x2] =	stream.indirect.gather [hbm4b:s7+s25], $0x10, s5, s25, $0xb8;
	[tilespmem:$0x1E9B0] =	vst v63  }
0xb8: {  	_ = 	snop  }
0xb9: {  	[tilespmem:s28], [sflag:$0x3] =	stream.indirect.gather [hbm4b:s1+s25], $0x80, s5, s25, $0xb8;
	[tilespmem:$0x1E9B0] =	vst v63  }
0xba: {  	_ =	swait.ge [sflag:s0], $0x500  }
0xbb: {  	[sflag:s0] =	ssyncset.done $0x0  }
0xbc: {  	[sflag:s0] =	ssyncadd.s32 $0xFFFFFB00  }
0xbd: {  	_ =	swait.ge [sflag:s23], $0x2800  }
0xbe: {  	[sflag:s23] =	ssyncset.done $0x0  }
0xbf: {  	[sflag:s23] =	ssyncadd.s32 $0xFFFFD800  }
0xc0: {  	_ =	swait.ge [sflag:s31], $0x500  }
0xc1: {  	[sflag:s31] =	ssyncset.done $0x0  }
0xc2: {  	[sflag:s31] =	ssyncadd.s32 $0xFFFFFB00  }
0xc3: {  	_ =	swait.ge [sflag:s2], $0x2800  }
0xc4: {  	[sflag:s2] =	ssyncset.done $0x0  }
0xc5: {  	[sflag:s2] =	ssyncadd.s32 $0xFFFFD800  }
0xc6: {  	[spmem:s3] =	stream.indirect.scatter.add.f32 [tilespmem:s26], [sflag:$0x4], $0x10, s11, s25, $0xb8;
	[tilespmem:$0x1E9B0] =	vst v63  }
0xc7: {  	_ = 	snop  }
0xc8: {  	[spmem:s4] =	stream.indirect.scatter.add.f32 [tilespmem:s28], [sflag:$0x5], $0x80, s11, s25, $0xb8;
	[tilespmem:$0x1E9B0] =	vst v63  }
0xc9: {  	_ =	swait.ge [sflag:s0], $0x500  }
0xca: {  	[sflag:s0] =	ssyncset.done $0x0  }
0xcb: {  	[sflag:s0] =	ssyncadd.s32 $0xFFFFFB00  }
0xcc: {  	_ =	swait.ge [sflag:s23], $0x2800  }
0xcd: {  	[sflag:s23] =	ssyncset.done $0x0  }
0xce: {  	[sflag:s23] =	ssyncadd.s32 $0xFFFFD800  }
0xcf: {  	_ =	swait.ge [sflag:s24], $0x50  }
0xd0: {  	[sflag:s24] =	ssyncset.done $0x0  }
0xd1: {  	[sflag:s24] =	ssyncadd.s32 $0xFFFFFFB0  }
0xd2: {  	[bflag:$0x0] =	sbarrier.arrive $0xFFFF  }
0xd3: {  	s16 =	rddreg [dreg:$0xb]  }
0xd4: {  	[hbm:s16], [sflag:s9] =	dma.local [spmem:s21], $0x500  }
0xd5: {  	_ =	swait.ge [sflag:s22], $0x500  }
0xd6: {  	[sflag:s22] =	ssyncset.done $0x0  }
0xd7: {  	s18 =	rddreg [dreg:$0xc];
	[sflag:s22] =	ssyncadd.s32 $0xFFFFFB00  }
0xd8: {  	[hbm:s18], [sflag:s9] =	dma.local [spmem:s14], $0x2800  }
0xd9: {  	_ =	swait.ge [sflag:s22], $0x2800  }
0xda: {  	s12 =	sadd.s32 $0x1, s12;
	s20 =	rddreg [dreg:$0xd]  }
0xdb: {  	p0 =	sne.s32 s12, s20  }
.Ltmp1:
0xdc: {  	_ = 	snop;
	(pc) =	sbr.rel @p0 .LBB2_1-.Ltmp1, $3  }
0xdd: {  	_ =	sdelay $0x1  }
0xde: {  	[sflag:s22] =	ssyncset.done $0x0  }
0xdf: {  	[sflag:s22] =	ssyncadd.s32 $0xFFFFD800  }
0xe0: {  	_ =	sfence.sel $0x180000  }
0xe1: {  	[bflag:$0x0] =	sbarrier.arrive $0xFFFF  }
0xe2: {  	_ =	strace $0x90000047  }
0xe3: {  	s0 =	stileid.u32;
	[bflag:$0x2] =	sbarrier.arrive $0xFFFF  }
0xe4: {  	p0 =	sne.s32 s0, $0x0;
	s0 =	rddreg [dreg:$0x5]  }
0xe5: {  	s0 =	sadd.s32 @!p0 $0x100000, s0  }
0xe6: {  	[sflag:s0] =	ssyncadd.tile.s32 @!p0 $0x1;
	_ =	shalt  }
.Lfunc_end2:
_tile_overlayer_lowered:
.L_overlay_start_2:
0xe7: {  	(tag) =	ssettag $0x2  }
0xe8: {  	s0 =	rddreg [dreg:$0x0];
	s2 =	stileid.u32  }
0xe9: {  	s1 =	rddreg [dreg:$0x1];
	p0 =	sne.s32 s2, $0x0  }
0xea: {  	s3 =	rddreg [dreg:$0x2];
	[bflag:$0x3] =	sbarrier.arrive $0xFFFF;
	s2 =	simm.s32 @!p0 $0x1C06  }
0xeb: {  	[timem:s3], [sflag:s2] =	dma.local @!p0 [hbm:s0], s1  }
0xec: {  	s0 =	simm.s32 @!p0 $0x6  }
0xed: {  	_ =	swait.ge @!p0 [sflag:s0], s1  }
0xee: {  	s1 =	ssub.s32 @!p0 $0x0, s1;
	[sflag:s0] =	ssyncset.done @!p0 $0x0  }
0xef: {  	[sflag:s0] =	ssyncadd.s32 @!p0 s1  }
0xf0: {  	[bflag:$0x3] =	sbarrier.arrive $0xFFFF  }
0xf1: {  	_ =	shalt  }

</sc_bundles>
